<compile_context>
chip_gen: v7x
topology: tpu7x:2x2x1
jax: 0.10.2.dev20260603
libtpu: 0.0.44.dev20260713+nightly
codegen_flags: <defaults>
</compile_context>

<pallas_src>
import functools

import jax
import jax.numpy as jnp
from jax import lax
from jax.experimental import pallas as pl
from jax.experimental.pallas import tpu as pltpu
from jax.experimental.pallas import tpu_sc as plsc

_TAU = 1.0
_LANES = 16
_SUBCORES = 16
_PAD_G = 1e30


def _tc_body(u_ref, it_ref, wq_ref, bq_ref, wk_ref, bk_ref,
             rows_ref, cols_ref, n1_ref, n2_ref,
             w1_ref, w2_ref, flat_ref, g1_ref, g2_ref,
             qu_s, ku_s, qi_s, ki_s, *, nnz):
    j = pl.program_id(0)

    @pl.when(j == 0)
    def _():
        u = u_ref[...]
        it = it_ref[...]
        wq = wq_ref[...]
        wk = wk_ref[...]
        bq = bq_ref[...]
        bk = bk_ref[...]
        qu_s[...] = jnp.dot(u, wq, preferred_element_type=jnp.float32) + bq
        ku_s[...] = jnp.dot(u, wk, preferred_element_type=jnp.float32) + bk
        qi_s[...] = jnp.dot(it, wq, preferred_element_type=jnp.float32) + bq
        ki_s[...] = jnp.dot(it, wk, preferred_element_type=jnp.float32) + bk

        rows = rows_ref[...]
        cols = cols_ref[...]
        n_users = u.shape[0]
        jb = cols // 128
        flat_ref[...] = jb * (n_users * 128) + rows * 128 + (cols - jb * 128)
        shp = rows.shape
        pos = (lax.broadcasted_iota(jnp.int32, shp, 0) * shp[1]
               + lax.broadcasted_iota(jnp.int32, shp, 1))
        pad = (pos >= nnz).astype(jnp.float32) * _PAD_G
        g1_ref[...] = jnp.log(-jnp.log(n1_ref[...])) + pad
        g2_ref[...] = jnp.log(-jnp.log(n2_ref[...])) + pad

    dn = (((1,), (1,)), ((), ()))
    for t in range(2):
        ki_blk = ki_s[pl.ds((2 * j + t) * 128, 128), :]
        qi_blk = qi_s[pl.ds((2 * j + t) * 128, 128), :]
        w1_ref[t] = lax.dot_general(qu_s[...], ki_blk, dn,
                                    preferred_element_type=jnp.float32)
        w2_ref[t] = lax.dot_general(ku_s[...], qi_blk, dn,
                                    preferred_element_type=jnp.float32)


def _sc_body(w1_hbm, w2_hbm, flat_hbm, segu_hbm, segi_hbm, g1_hbm, g2_hbm,
             out1_hbm, out2_hbm,
             idx_v, seg_v, gg_v, vals_v, ex_v, ssum_v, ssum_sh, sem,
             *, chunk, nseg):
    c = lax.axis_index("c")
    s = lax.axis_index("s")
    base = s * chunk
    nvec = chunk // _LANES

    @pl.when(s == 0)
    def _():
        def zbody(i, carry):
            ssum_v[pl.ds(i * _LANES, _LANES)] = jnp.zeros((_LANES,), jnp.float32)
            return carry
        lax.fori_loop(0, nseg // _LANES, zbody, 0)
        pltpu.sync_copy(ssum_v, ssum_sh)

    pltpu.sync_copy(flat_hbm.at[pl.ds(base, chunk)], idx_v)

    @pl.when(c == 0)
    def _():
        cp = pltpu.async_copy(w1_hbm.at[idx_v], vals_v, sem)
        pltpu.sync_copy(segu_hbm.at[pl.ds(base, chunk)], seg_v)
        pltpu.sync_copy(g1_hbm.at[pl.ds(base, chunk)], gg_v)
        cp.wait()

    @pl.when(c != 0)
    def _():
        cp = pltpu.async_copy(w2_hbm.at[idx_v], vals_v, sem)
        pltpu.sync_copy(segi_hbm.at[pl.ds(base, chunk)], seg_v)
        pltpu.sync_copy(g2_hbm.at[pl.ds(base, chunk)], gg_v)
        cp.wait()

    def ebody(i, carry):
        sl = pl.ds(i * _LANES, _LANES)
        ex_v[sl] = jnp.exp((vals_v[sl] - gg_v[sl]) * (1.0 / _TAU))
        return carry
    lax.fori_loop(0, nvec, ebody, 0)

    plsc.subcore_barrier()

    pltpu.sync_copy(ex_v, ssum_sh.at[seg_v], add=True)
    plsc.subcore_barrier()

    pltpu.async_copy(ssum_sh.at[seg_v], gg_v, sem).wait()

    def nbody(i, carry):
        sl = pl.ds(i * _LANES, _LANES)
        vals_v[sl] = ex_v[sl] / gg_v[sl]
        return carry
    lax.fori_loop(0, nvec, nbody, 0)

    @pl.when(c == 0)
    def _():
        pltpu.sync_copy(vals_v, out1_hbm.at[pl.ds(base, chunk)])

    @pl.when(c != 0)
    def _():
        pltpu.sync_copy(vals_v, out2_hbm.at[pl.ds(base, chunk)])


def kernel(user_embed, item_embed, ui_indices, noise_ui, noise_iu, Wq, bq, Wk, bk):
    n_users, embed = user_embed.shape
    n_items = item_embed.shape[0]
    att = Wq.shape[1]
    nnz = noise_ui.shape[0]

    lcm = _SUBCORES * 128
    nnz_pad = ((nnz + lcm - 1) // lcm) * lcm
    chunk = nnz_pad // _SUBCORES
    pad = nnz_pad - nnz

    rows = ui_indices[0].astype(jnp.int32)
    cols = ui_indices[1].astype(jnp.int32)
    rows_p = jnp.pad(rows, (0, pad)).reshape(nnz_pad // 128, 128)
    cols_p = jnp.pad(cols, (0, pad)).reshape(nnz_pad // 128, 128)
    n1_p = jnp.pad(noise_ui, (0, pad), constant_values=0.5).reshape(nnz_pad // 128, 128)
    n2_p = jnp.pad(noise_iu, (0, pad), constant_values=0.5).reshape(nnz_pad // 128, 128)
    bq2 = bq.reshape(1, att)
    bk2 = bk.reshape(1, att)

    jblk = n_items // 128
    nrow = nnz_pad // 128
    tc = pl.pallas_call(
        functools.partial(_tc_body, nnz=nnz),
        grid=(jblk // 2,),
        in_specs=[
            pl.BlockSpec((n_users, embed), lambda j: (0, 0)),
            pl.BlockSpec((n_items, embed), lambda j: (0, 0)),
            pl.BlockSpec((embed, att), lambda j: (0, 0)),
            pl.BlockSpec((1, att), lambda j: (0, 0)),
            pl.BlockSpec((embed, att), lambda j: (0, 0)),
            pl.BlockSpec((1, att), lambda j: (0, 0)),
            pl.BlockSpec((nrow, 128), lambda j: (0, 0)),
            pl.BlockSpec((nrow, 128), lambda j: (0, 0)),
            pl.BlockSpec((nrow, 128), lambda j: (0, 0)),
            pl.BlockSpec((nrow, 128), lambda j: (0, 0)),
        ],
        out_specs=[
            pl.BlockSpec((2, n_users, 128), lambda j: (j, 0, 0)),
            pl.BlockSpec((2, n_users, 128), lambda j: (j, 0, 0)),
            pl.BlockSpec((nrow, 128), lambda j: (0, 0)),
            pl.BlockSpec((nrow, 128), lambda j: (0, 0)),
            pl.BlockSpec((nrow, 128), lambda j: (0, 0)),
        ],
        out_shape=[
            jax.ShapeDtypeStruct((jblk, n_users, 128), jnp.float32),
            jax.ShapeDtypeStruct((jblk, n_users, 128), jnp.float32),
            jax.ShapeDtypeStruct((nrow, 128), jnp.int32),
            jax.ShapeDtypeStruct((nrow, 128), jnp.float32),
            jax.ShapeDtypeStruct((nrow, 128), jnp.float32),
        ],
        scratch_shapes=[
            pltpu.VMEM((n_users, att), jnp.float32),
            pltpu.VMEM((n_users, att), jnp.float32),
            pltpu.VMEM((n_items, att), jnp.float32),
            pltpu.VMEM((n_items, att), jnp.float32),
        ],
    )
    w1, w2, flat, g1, g2 = tc(
        user_embed, item_embed, Wq, bq2, Wk, bk2, rows_p, cols_p, n1_p, n2_p)
    w1f = w1.reshape(n_users * n_items)
    w2f = w2.reshape(n_users * n_items)

    nseg = n_users
    sc = functools.partial(
        pl.kernel,
        mesh=plsc.VectorSubcoreMesh(core_axis_name="c", subcore_axis_name="s"),
        out_type=[
            jax.ShapeDtypeStruct((nnz_pad,), jnp.float32),
            jax.ShapeDtypeStruct((nnz_pad,), jnp.float32),
        ],
        scratch_types=[
            pltpu.VMEM((chunk,), jnp.int32),
            pltpu.VMEM((chunk,), jnp.int32),
            pltpu.VMEM((chunk,), jnp.float32),
            pltpu.VMEM((chunk,), jnp.float32),
            pltpu.VMEM((chunk,), jnp.float32),
            pltpu.VMEM((nseg,), jnp.float32),
            pltpu.VMEM_SHARED((nseg,), jnp.float32),
            pltpu.SemaphoreType.DMA,
        ],
    )(functools.partial(_sc_body, chunk=chunk, nseg=nseg))
    out1, out2 = sc(w1f, w2f, flat.reshape(nnz_pad),
                    rows_p.reshape(nnz_pad), cols_p.reshape(nnz_pad),
                    g1.reshape(nnz_pad), g2.reshape(nnz_pad))
    return jnp.concatenate([out1[:nnz], out2[:nnz]], axis=0)

# --- scband reference (transcript-rebuilt; emitter-appended) ---
"""Pipeline reference for scband-mask-model-68779606278183 (READ-ONLY COPY).

The authoritative reference and input builder live on the scoring server;
editing this copy changes nothing except your own understanding.
"""

import jax, jax.numpy as jnp
import numpy as np

N_USERS = 4096
N_ITEMS = 4096
NNZ = 167772
EMBED = 128
ATT = 64
TAU = 1.0


def _segment_softmax(vals, seg, num_segments):
    # torch.sparse.softmax over axis=1: softmax over the nonzero entries of each row
    m = jax.ops.segment_max(vals, seg, num_segments=num_segments)
    m = jnp.where(jnp.isfinite(m), m, 0.0)
    ex = jnp.exp(vals - m[seg])
    s = jax.ops.segment_sum(ex, seg, num_segments=num_segments)
    return ex / s[seg]


def setup_inputs(seed: int = 0) -> dict:
    key = jax.random.key(seed)
    ks = jax.random.split(key, 10)
    user_embed = jax.random.normal(ks[0], (N_USERS, EMBED), dtype=jnp.float32)
    item_embed = jax.random.normal(ks[1], (N_ITEMS, EMBED), dtype=jnp.float32)
    ui_indices = jax.random.randint(ks[2], (2, NNZ), 0, N_USERS)
    noise_ui = jax.random.uniform(ks[3], (NNZ,), minval=1e-6, maxval=1.0, dtype=jnp.float32)
    noise_iu = jax.random.uniform(ks[4], (NNZ,), minval=1e-6, maxval=1.0, dtype=jnp.float32)
    Wq = jax.random.normal(ks[5], (EMBED, ATT), dtype=jnp.float32) * 0.05
    bq = jnp.zeros((ATT,), dtype=jnp.float32)
    Wk = jax.random.normal(ks[6], (EMBED, ATT), dtype=jnp.float32) * 0.05
    bk = jnp.zeros((ATT,), dtype=jnp.float32)
    return {"user_embed": user_embed, "item_embed": item_embed, "ui_indices": ui_indices,
            "noise_ui": noise_ui, "noise_iu": noise_iu, "Wq": Wq, "bq": bq, "Wk": Wk, "bk": bk}


def reference(user_embed, item_embed, ui_indices, noise_ui, noise_iu, Wq, bq, Wk, bk):
    rows = ui_indices[0]
    cols = ui_indices[1]

    def _get_M_attention(src_embed, dst_embed, r, c, noise, n_rows):
        # Q/K linear projections (shared layers, as in the torch module)
        Q = src_embed @ Wq + bq
        K = dst_embed @ Wk + bk
        # dense attention logits, then sparse masking via gather at nnz coords
        W = Q @ K.T
        vals = W[r, c]
        # gumble_G = log(-log(U)) as in the original code
        G = jnp.log(-jnp.log(noise))
        g = (vals - G) / TAU
        return _segment_softmax(g, r, n_rows)

    # M_ui over u_i_matrix (rows=users), M_iu over u_i_matrix.T (rows=items)
    v_ui = _get_M_attention(user_embed, item_embed, rows, cols, noise_ui, N_USERS)
    v_iu = _get_M_attention(item_embed, user_embed, cols, rows, noise_iu, N_ITEMS)
    # final block mask [[0, M_ui],[M_iu, 0]] is sparse; its values are the concatenation
    return jnp.concatenate([v_ui, v_iu], axis=0)

if __name__ == "__main__":
    import jax
    _d = setup_inputs()
    print(jax.jit(kernel)(*tuple(_d.values())))

</pallas_src>

<mosaic_0001>
#map = affine_map<(d0, d1) -> (0)>
module attributes {stable_mosaic.version = 14 : i64} {
  func.func @_sc_body(%arg0: i32, %arg1: i32, %arg2: memref<16777216xf32, #tpu.memory_space<hbm>>, %arg3: memref<16777216xf32, #tpu.memory_space<hbm>>, %arg4: memref<167936xi32, #tpu.memory_space<hbm>>, %arg5: memref<167936xi32, #tpu.memory_space<hbm>>, %arg6: memref<167936xi32, #tpu.memory_space<hbm>>, %arg7: memref<167936xf32, #tpu.memory_space<hbm>>, %arg8: memref<167936xf32, #tpu.memory_space<hbm>>, %arg9: memref<167936xf32, #tpu.memory_space<hbm>>, %arg10: memref<167936xf32, #tpu.memory_space<hbm>>, %arg11: memref<10496xi32, #tpu.memory_space<vmem>>, %arg12: memref<10496xi32, #tpu.memory_space<vmem>>, %arg13: memref<10496xf32, #tpu.memory_space<vmem>>, %arg14: memref<10496xf32, #tpu.memory_space<vmem>>, %arg15: memref<10496xf32, #tpu.memory_space<vmem>>, %arg16: memref<4096xf32, #tpu.memory_space<vmem>>, %arg17: memref<4096xf32, #tpu.memory_space<vmem_shared>>, %arg18: memref<!tpu.dma_semaphore, #tpu.memory_space<semaphore_mem>>) attributes {dimension_semantics = [#tpu.dimension_semantics<core_parallel>, #tpu.dimension_semantics<subcore_parallel>], iteration_bounds = array<i64: 2, 16>, scalar_prefetch = 0 : i64, scratch_operands = 8 : i64, tpu.core_type = #tpu.core_type<sc_vector_subcore>, window_params = [{transform_indices = #map}, {transform_indices = #map}, {transform_indices = #map}, {transform_indices = #map}, {transform_indices = #map}, {transform_indices = #map}, {transform_indices = #map}, {transform_indices = #map}, {transform_indices = #map}]} {
    %mul3A = arith.constant 10496 : i32
    %mul3A_0 = arith.muli %arg1, %mul3A : i32
    %eq3A = arith.constant 0 : i32
    %eq3A_1 = arith.cmpi eq, %arg1, %eq3A : i32
    %convert_element_type3A = arith.extui %eq3A_1 : i1 to i32
    %cond3A = arith.constant 0 : i32
    %cond3A_2 = arith.cmpi ne, %convert_element_type3A, %cond3A : i32
    scf.if %cond3A_2 {
      %scan3A_36 = arith.constant 0 : i32
      %scan3A_37 = arith.constant 0 : i32
      %scan3A_38 = arith.constant 256 : i32
      %scan3A_39 = arith.addi %scan3A_37, %scan3A_38 : i32
      %scan3A_40 = arith.constant 1 : i32
      scf.for %scan3A_42 = %scan3A_37 to %scan3A_39 step %scan3A_40  : i32 {
        %broadcast_in_dim3A = arith.constant 0.000000e+00 : f32
        %broadcast_in_dim3A_43 = vector.broadcast %broadcast_in_dim3A : f32 to vector<16xf32>
        %mul3A_44 = arith.constant 16 : i32
        %mul3A_45 = arith.muli %scan3A_42, %mul3A_44 : i32
        %swap3A = arith.index_cast %mul3A_45 : i32 to index
        %swap3A_46 = tpu.vector_load %arg16[%swap3A] {strides = array<i32>} : memref<4096xf32, #tpu.memory_space<vmem>>, vector<16xf32>,
        %swap3A_47 = vector.shape_cast %swap3A_46 : vector<16xf32> to vector<16xf32>
        %swap3A_48 = vector.shape_cast %broadcast_in_dim3A_43 : vector<16xf32> to vector<16xf32>
        tpu.vector_store %arg16[%swap3A], %swap3A_48 {strides = array<i32>} : memref<4096xf32, #tpu.memory_space<vmem>>, vector<16xf32>,
      }
      %scan3A_41 = arith.constant 256 : i32
      "tpu.region"() ({
        %run_scoped3A = tpu.sem_alloc : memref<!tpu.dma_semaphore, #tpu.memory_space<semaphore_mem>>
        tpu.enqueue_dma source(%arg16 : memref<4096xf32, #tpu.memory_space<vmem>>) target(%arg17 : memref<4096xf32, #tpu.memory_space<vmem_shared>>) target_semaphore(%run_scoped3A : memref<!tpu.dma_semaphore, #tpu.memory_space<semaphore_mem>>)
        tpu.wait_dma2 semaphore(%run_scoped3A : memref<!tpu.dma_semaphore, #tpu.memory_space<semaphore_mem>>) src(%arg16 : memref<4096xf32, #tpu.memory_space<vmem>>) dst(%arg17 : memref<4096xf32, #tpu.memory_space<vmem_shared>>)
        tpu.yield
      }) : () -> ()
    } else {
    }
    "tpu.region"() ({
      %run_scoped3A = tpu.sem_alloc : memref<!tpu.dma_semaphore, #tpu.memory_space<semaphore_mem>>
      %dma_start3A_36 = tpu.memref_slice %arg4[%mul3A_0] : memref<167936xi32, #tpu.memory_space<hbm>> -> memref<10496xi32, #tpu.memory_space<hbm>>
      %dma_start3A_37 = tpu.memref_slice %arg4[%mul3A_0] : memref<167936xi32, #tpu.memory_space<hbm>> -> memref<10496xi32, #tpu.memory_space<hbm>>
      tpu.enqueue_dma source(%dma_start3A_37 : memref<10496xi32, #tpu.memory_space<hbm>>) target(%arg11 : memref<10496xi32, #tpu.memory_space<vmem>>) target_semaphore(%run_scoped3A : memref<!tpu.dma_semaphore, #tpu.memory_space<semaphore_mem>>)
      %dma_wait3A_38 = tpu.memref_slice %arg4[%mul3A_0] : memref<167936xi32, #tpu.memory_space<hbm>> -> memref<10496xi32, #tpu.memory_space<hbm>>
      %dma_wait3A_39 = tpu.memref_slice %arg4[%mul3A_0] : memref<167936xi32, #tpu.memory_space<hbm>> -> memref<10496xi32, #tpu.memory_space<hbm>>
      tpu.wait_dma2 semaphore(%run_scoped3A : memref<!tpu.dma_semaphore, #tpu.memory_space<semaphore_mem>>) src(%dma_wait3A_39 : memref<10496xi32, #tpu.memory_space<hbm>>) dst(%arg11 : memref<10496xi32, #tpu.memory_space<vmem>>)
      tpu.yield
    }) : () -> ()
    %eq3A_3 = arith.constant 0 : i32
    %eq3A_4 = arith.cmpi eq, %arg0, %eq3A_3 : i32
    %convert_element_type3A_5 = arith.extui %eq3A_4 : i1 to i32
    %cond3A_6 = arith.constant 0 : i32
    %cond3A_7 = arith.cmpi ne, %convert_element_type3A_5, %cond3A_6 : i32
    scf.if %cond3A_7 {
      %dma_start3A_36 = arith.constant 0 : i32
      %dma_start3A_37 = tpu.memref_slice %arg2[%dma_start3A_36] : memref<16777216xf32, #tpu.memory_space<hbm>> -> memref<16777216xf32, #tpu.memory_space<hbm>>
      tpu.enqueue_indirect_dma source(%dma_start3A_37 : memref<16777216xf32, #tpu.memory_space<hbm>>) target(%arg14 : memref<10496xf32, #tpu.memory_space<vmem>>) offsets(%arg11 : memref<10496xi32, #tpu.memory_space<vmem>>) semaphore(%arg18 : memref<!tpu.dma_semaphore, #tpu.memory_space<semaphore_mem>>)
      "tpu.region"() ({
        %run_scoped3A = tpu.sem_alloc : memref<!tpu.dma_semaphore, #tpu.memory_space<semaphore_mem>>
        %dma_start3A_40 = tpu.memref_slice %arg5[%mul3A_0] : memref<167936xi32, #tpu.memory_space<hbm>> -> memref<10496xi32, #tpu.memory_space<hbm>>
        %dma_start3A_41 = tpu.memref_slice %arg5[%mul3A_0] : memref<167936xi32, #tpu.memory_space<hbm>> -> memref<10496xi32, #tpu.memory_space<hbm>>
        tpu.enqueue_dma source(%dma_start3A_41 : memref<10496xi32, #tpu.memory_space<hbm>>) target(%arg12 : memref<10496xi32, #tpu.memory_space<vmem>>) target_semaphore(%run_scoped3A : memref<!tpu.dma_semaphore, #tpu.memory_space<semaphore_mem>>)
        %dma_wait3A_42 = tpu.memref_slice %arg5[%mul3A_0] : memref<167936xi32, #tpu.memory_space<hbm>> -> memref<10496xi32, #tpu.memory_space<hbm>>
        %dma_wait3A_43 = tpu.memref_slice %arg5[%mul3A_0] : memref<167936xi32, #tpu.memory_space<hbm>> -> memref<10496xi32, #tpu.memory_space<hbm>>
        tpu.wait_dma2 semaphore(%run_scoped3A : memref<!tpu.dma_semaphore, #tpu.memory_space<semaphore_mem>>) src(%dma_wait3A_43 : memref<10496xi32, #tpu.memory_space<hbm>>) dst(%arg12 : memref<10496xi32, #tpu.memory_space<vmem>>)
        tpu.yield
      }) : () -> ()
      "tpu.region"() ({
        %run_scoped3A = tpu.sem_alloc : memref<!tpu.dma_semaphore, #tpu.memory_space<semaphore_mem>>
        %dma_start3A_40 = tpu.memref_slice %arg7[%mul3A_0] : memref<167936xf32, #tpu.memory_space<hbm>> -> memref<10496xf32, #tpu.memory_space<hbm>>
        %dma_start3A_41 = tpu.memref_slice %arg7[%mul3A_0] : memref<167936xf32, #tpu.memory_space<hbm>> -> memref<10496xf32, #tpu.memory_space<hbm>>
        tpu.enqueue_dma source(%dma_start3A_41 : memref<10496xf32, #tpu.memory_space<hbm>>) target(%arg13 : memref<10496xf32, #tpu.memory_space<vmem>>) target_semaphore(%run_scoped3A : memref<!tpu.dma_semaphore, #tpu.memory_space<semaphore_mem>>)
        %dma_wait3A_42 = tpu.memref_slice %arg7[%mul3A_0] : memref<167936xf32, #tpu.memory_space<hbm>> -> memref<10496xf32, #tpu.memory_space<hbm>>
        %dma_wait3A_43 = tpu.memref_slice %arg7[%mul3A_0] : memref<167936xf32, #tpu.memory_space<hbm>> -> memref<10496xf32, #tpu.memory_space<hbm>>
        tpu.wait_dma2 semaphore(%run_scoped3A : memref<!tpu.dma_semaphore, #tpu.memory_space<semaphore_mem>>) src(%dma_wait3A_43 : memref<10496xf32, #tpu.memory_space<hbm>>) dst(%arg13 : memref<10496xf32, #tpu.memory_space<vmem>>)
        tpu.yield
      }) : () -> ()
      %dma_wait3A_38 = arith.constant 0 : i32
      %dma_wait3A_39 = tpu.memref_slice %arg2[%dma_wait3A_38] : memref<16777216xf32, #tpu.memory_space<hbm>> -> memref<16777216xf32, #tpu.memory_space<hbm>>
      tpu.wait_indirect_dma semaphore(%arg18 : memref<!tpu.dma_semaphore, #tpu.memory_space<semaphore_mem>>) src(%dma_wait3A_39 : memref<16777216xf32, #tpu.memory_space<hbm>>) dst(%arg14 : memref<10496xf32, #tpu.memory_space<vmem>>)
    } else {
    }
    %ne3A = arith.constant 0 : i32
    %ne3A_8 = arith.cmpi ne, %arg0, %ne3A : i32
    %convert_element_type3A_9 = arith.extui %ne3A_8 : i1 to i32
    %cond3A_10 = arith.constant 0 : i32
    %cond3A_11 = arith.cmpi ne, %convert_element_type3A_9, %cond3A_10 : i32
    scf.if %cond3A_11 {
      %dma_start3A_36 = arith.constant 0 : i32
      %dma_start3A_37 = tpu.memref_slice %arg3[%dma_start3A_36] : memref<16777216xf32, #tpu.memory_space<hbm>> -> memref<16777216xf32, #tpu.memory_space<hbm>>
      tpu.enqueue_indirect_dma source(%dma_start3A_37 : memref<16777216xf32, #tpu.memory_space<hbm>>) target(%arg14 : memref<10496xf32, #tpu.memory_space<vmem>>) offsets(%arg11 : memref<10496xi32, #tpu.memory_space<vmem>>) semaphore(%arg18 : memref<!tpu.dma_semaphore, #tpu.memory_space<semaphore_mem>>)
      "tpu.region"() ({
        %run_scoped3A = tpu.sem_alloc : memref<!tpu.dma_semaphore, #tpu.memory_space<semaphore_mem>>
        %dma_start3A_40 = tpu.memref_slice %arg6[%mul3A_0] : memref<167936xi32, #tpu.memory_space<hbm>> -> memref<10496xi32, #tpu.memory_space<hbm>>
        %dma_start3A_41 = tpu.memref_slice %arg6[%mul3A_0] : memref<167936xi32, #tpu.memory_space<hbm>> -> memref<10496xi32, #tpu.memory_space<hbm>>
        tpu.enqueue_dma source(%dma_start3A_41 : memref<10496xi32, #tpu.memory_space<hbm>>) target(%arg12 : memref<10496xi32, #tpu.memory_space<vmem>>) target_semaphore(%run_scoped3A : memref<!tpu.dma_semaphore, #tpu.memory_space<semaphore_mem>>)
        %dma_wait3A_42 = tpu.memref_slice %arg6[%mul3A_0] : memref<167936xi32, #tpu.memory_space<hbm>> -> memref<10496xi32, #tpu.memory_space<hbm>>
        %dma_wait3A_43 = tpu.memref_slice %arg6[%mul3A_0] : memref<167936xi32, #tpu.memory_space<hbm>> -> memref<10496xi32, #tpu.memory_space<hbm>>
        tpu.wait_dma2 semaphore(%run_scoped3A : memref<!tpu.dma_semaphore, #tpu.memory_space<semaphore_mem>>) src(%dma_wait3A_43 : memref<10496xi32, #tpu.memory_space<hbm>>) dst(%arg12 : memref<10496xi32, #tpu.memory_space<vmem>>)
        tpu.yield
      }) : () -> ()
      "tpu.region"() ({
        %run_scoped3A = tpu.sem_alloc : memref<!tpu.dma_semaphore, #tpu.memory_space<semaphore_mem>>
        %dma_start3A_40 = tpu.memref_slice %arg8[%mul3A_0] : memref<167936xf32, #tpu.memory_space<hbm>> -> memref<10496xf32, #tpu.memory_space<hbm>>
        %dma_start3A_41 = tpu.memref_slice %arg8[%mul3A_0] : memref<167936xf32, #tpu.memory_space<hbm>> -> memref<10496xf32, #tpu.memory_space<hbm>>
        tpu.enqueue_dma source(%dma_start3A_41 : memref<10496xf32, #tpu.memory_space<hbm>>) target(%arg13 : memref<10496xf32, #tpu.memory_space<vmem>>) target_semaphore(%run_scoped3A : memref<!tpu.dma_semaphore, #tpu.memory_space<semaphore_mem>>)
        %dma_wait3A_42 = tpu.memref_slice %arg8[%mul3A_0] : memref<167936xf32, #tpu.memory_space<hbm>> -> memref<10496xf32, #tpu.memory_space<hbm>>
        %dma_wait3A_43 = tpu.memref_slice %arg8[%mul3A_0] : memref<167936xf32, #tpu.memory_space<hbm>> -> memref<10496xf32, #tpu.memory_space<hbm>>
        tpu.wait_dma2 semaphore(%run_scoped3A : memref<!tpu.dma_semaphore, #tpu.memory_space<semaphore_mem>>) src(%dma_wait3A_43 : memref<10496xf32, #tpu.memory_space<hbm>>) dst(%arg13 : memref<10496xf32, #tpu.memory_space<vmem>>)
        tpu.yield
      }) : () -> ()
      %dma_wait3A_38 = arith.constant 0 : i32
      %dma_wait3A_39 = tpu.memref_slice %arg3[%dma_wait3A_38] : memref<16777216xf32, #tpu.memory_space<hbm>> -> memref<16777216xf32, #tpu.memory_space<hbm>>
      tpu.wait_indirect_dma semaphore(%arg18 : memref<!tpu.dma_semaphore, #tpu.memory_space<semaphore_mem>>) src(%dma_wait3A_39 : memref<16777216xf32, #tpu.memory_space<hbm>>) dst(%arg14 : memref<10496xf32, #tpu.memory_space<vmem>>)
    } else {
    }
    %scan3A = arith.constant 0 : i32
    %scan3A_12 = arith.constant 0 : i32
    %scan3A_13 = arith.constant 656 : i32
    %scan3A_14 = arith.addi %scan3A_12, %scan3A_13 : i32
    %scan3A_15 = arith.constant 1 : i32
    scf.for %scan3A_36 = %scan3A_12 to %scan3A_14 step %scan3A_15  : i32 {
      %mul3A_37 = arith.constant 16 : i32
      %mul3A_38 = arith.muli %scan3A_36, %mul3A_37 : i32
      %get3A = arith.index_cast %mul3A_38 : i32 to index
      %get3A_39 = tpu.vector_load %arg14[%get3A] {strides = array<i32>} : memref<10496xf32, #tpu.memory_space<vmem>>, vector<16xf32>,
      %get3A_40 = vector.shape_cast %get3A_39 : vector<16xf32> to vector<16xf32>
      %get3A_41 = arith.index_cast %mul3A_38 : i32 to index
      %get3A_42 = tpu.vector_load %arg13[%get3A_41] {strides = array<i32>} : memref<10496xf32, #tpu.memory_space<vmem>>, vector<16xf32>,
      %get3A_43 = vector.shape_cast %get3A_42 : vector<16xf32> to vector<16xf32>
      %sub3A = arith.subf %get3A_40, %get3A_43 : vector<16xf32>
      %mul3A_44 = arith.constant 1.000000e+00 : f32
      %mul3A_45 = vector.broadcast %mul3A_44 : f32 to vector<16xf32>
      %mul3A_46 = arith.mulf %sub3A, %mul3A_45 : vector<16xf32>
      %exp3A = math.exp %mul3A_46 : vector<16xf32>
      %swap3A = arith.index_cast %mul3A_38 : i32 to index
      %swap3A_47 = tpu.vector_load %arg15[%swap3A] {strides = array<i32>} : memref<10496xf32, #tpu.memory_space<vmem>>, vector<16xf32>,
      %swap3A_48 = vector.shape_cast %swap3A_47 : vector<16xf32> to vector<16xf32>
      %swap3A_49 = vector.shape_cast %exp3A : vector<16xf32> to vector<16xf32>
      tpu.vector_store %arg15[%swap3A], %swap3A_49 {strides = array<i32>} : memref<10496xf32, #tpu.memory_space<vmem>>, vector<16xf32>,
    }
    %scan3A_16 = arith.constant 656 : i32
    %barrier3A = arith.constant 0 : index
    tpu.barrier barrier_id(%barrier3A)
    "tpu.region"() ({
      %run_scoped3A = tpu.sem_alloc : memref<!tpu.dma_semaphore, #tpu.memory_space<semaphore_mem>>
      %dma_start3A_36 = arith.constant 0 : i32
      %dma_start3A_37 = tpu.memref_slice %arg17[%dma_start3A_36] : memref<4096xf32, #tpu.memory_space<vmem_shared>> -> memref<4096xf32, #tpu.memory_space<vmem_shared>>
      tpu.enqueue_indirect_dma source(%arg15 : memref<10496xf32, #tpu.memory_space<vmem>>) target(%dma_start3A_37 : memref<4096xf32, #tpu.memory_space<vmem_shared>>) offsets(%arg12 : memref<10496xi32, #tpu.memory_space<vmem>>) semaphore(%run_scoped3A : memref<!tpu.dma_semaphore, #tpu.memory_space<semaphore_mem>>) {add = true}
      %dma_wait3A_38 = arith.constant 0 : i32
      %dma_wait3A_39 = tpu.memref_slice %arg17[%dma_wait3A_38] : memref<4096xf32, #tpu.memory_space<vmem_shared>> -> memref<4096xf32, #tpu.memory_space<vmem_shared>>
      tpu.wait_indirect_dma semaphore(%run_scoped3A : memref<!tpu.dma_semaphore, #tpu.memory_space<semaphore_mem>>) src(%arg15 : memref<10496xf32, #tpu.memory_space<vmem>>) dst(%dma_wait3A_39 : memref<4096xf32, #tpu.memory_space<vmem_shared>>)
      tpu.yield
    }) : () -> ()
    %barrier3A_17 = arith.constant 0 : index
    tpu.barrier barrier_id(%barrier3A_17)
    %dma_start3A = arith.constant 0 : i32
    %dma_start3A_18 = tpu.memref_slice %arg17[%dma_start3A] : memref<4096xf32, #tpu.memory_space<vmem_shared>> -> memref<4096xf32, #tpu.memory_space<vmem_shared>>
    tpu.enqueue_indirect_dma source(%dma_start3A_18 : memref<4096xf32, #tpu.memory_space<vmem_shared>>) target(%arg13 : memref<10496xf32, #tpu.memory_space<vmem>>) offsets(%arg12 : memref<10496xi32, #tpu.memory_space<vmem>>) semaphore(%arg18 : memref<!tpu.dma_semaphore, #tpu.memory_space<semaphore_mem>>)
    %dma_wait3A = arith.constant 0 : i32
    %dma_wait3A_19 = tpu.memref_slice %arg17[%dma_wait3A] : memref<4096xf32, #tpu.memory_space<vmem_shared>> -> memref<4096xf32, #tpu.memory_space<vmem_shared>>
    tpu.wait_indirect_dma semaphore(%arg18 : memref<!tpu.dma_semaphore, #tpu.memory_space<semaphore_mem>>) src(%dma_wait3A_19 : memref<4096xf32, #tpu.memory_space<vmem_shared>>) dst(%arg13 : memref<10496xf32, #tpu.memory_space<vmem>>)
    %scan3A_20 = arith.constant 0 : i32
    %scan3A_21 = arith.constant 0 : i32
    %scan3A_22 = arith.constant 656 : i32
    %scan3A_23 = arith.addi %scan3A_21, %scan3A_22 : i32
    %scan3A_24 = arith.constant 1 : i32
    scf.for %scan3A_36 = %scan3A_21 to %scan3A_23 step %scan3A_24  : i32 {
      %mul3A_37 = arith.constant 16 : i32
      %mul3A_38 = arith.muli %scan3A_36, %mul3A_37 : i32
      %get3A = arith.index_cast %mul3A_38 : i32 to index
      %get3A_39 = tpu.vector_load %arg15[%get3A] {strides = array<i32>} : memref<10496xf32, #tpu.memory_space<vmem>>, vector<16xf32>,
      %get3A_40 = vector.shape_cast %get3A_39 : vector<16xf32> to vector<16xf32>
      %get3A_41 = arith.index_cast %mul3A_38 : i32 to index
      %get3A_42 = tpu.vector_load %arg13[%get3A_41] {strides = array<i32>} : memref<10496xf32, #tpu.memory_space<vmem>>, vector<16xf32>,
      %get3A_43 = vector.shape_cast %get3A_42 : vector<16xf32> to vector<16xf32>
      %div3A = arith.divf %get3A_40, %get3A_43 : vector<16xf32>
      %swap3A = arith.index_cast %mul3A_38 : i32 to index
      %swap3A_44 = tpu.vector_load %arg14[%swap3A] {strides = array<i32>} : memref<10496xf32, #tpu.memory_space<vmem>>, vector<16xf32>,
      %swap3A_45 = vector.shape_cast %swap3A_44 : vector<16xf32> to vector<16xf32>
      %swap3A_46 = vector.shape_cast %div3A : vector<16xf32> to vector<16xf32>
      tpu.vector_store %arg14[%swap3A], %swap3A_46 {strides = array<i32>} : memref<10496xf32, #tpu.memory_space<vmem>>, vector<16xf32>,
    }
    %scan3A_25 = arith.constant 656 : i32
    %eq3A_26 = arith.constant 0 : i32
    %eq3A_27 = arith.cmpi eq, %arg0, %eq3A_26 : i32
    %convert_element_type3A_28 = arith.extui %eq3A_27 : i1 to i32
    %cond3A_29 = arith.constant 0 : i32
    %cond3A_30 = arith.cmpi ne, %convert_element_type3A_28, %cond3A_29 : i32
    scf.if %cond3A_30 {
      "tpu.region"() ({
        %run_scoped3A = tpu.sem_alloc : memref<!tpu.dma_semaphore, #tpu.memory_space<semaphore_mem>>
        %dma_start3A_36 = tpu.memref_slice %arg9[%mul3A_0] : memref<167936xf32, #tpu.memory_space<hbm>> -> memref<10496xf32, #tpu.memory_space<hbm>>
        %dma_start3A_37 = tpu.memref_slice %arg9[%mul3A_0] : memref<167936xf32, #tpu.memory_space<hbm>> -> memref<10496xf32, #tpu.memory_space<hbm>>
        tpu.enqueue_dma source(%arg14 : memref<10496xf32, #tpu.memory_space<vmem>>) target(%dma_start3A_37 : memref<10496xf32, #tpu.memory_space<hbm>>) target_semaphore(%run_scoped3A : memref<!tpu.dma_semaphore, #tpu.memory_space<semaphore_mem>>)
        %dma_wait3A_38 = tpu.memref_slice %arg9[%mul3A_0] : memref<167936xf32, #tpu.memory_space<hbm>> -> memref<10496xf32, #tpu.memory_space<hbm>>
        %dma_wait3A_39 = tpu.memref_slice %arg9[%mul3A_0] : memref<167936xf32, #tpu.memory_space<hbm>> -> memref<10496xf32, #tpu.memory_space<hbm>>
        tpu.wait_dma2 semaphore(%run_scoped3A : memref<!tpu.dma_semaphore, #tpu.memory_space<semaphore_mem>>) src(%arg14 : memref<10496xf32, #tpu.memory_space<vmem>>) dst(%dma_wait3A_39 : memref<10496xf32, #tpu.memory_space<hbm>>)
        tpu.yield
      }) : () -> ()
    } else {
    }
    %ne3A_31 = arith.constant 0 : i32
    %ne3A_32 = arith.cmpi ne, %arg0, %ne3A_31 : i32
    %convert_element_type3A_33 = arith.extui %ne3A_32 : i1 to i32
    %cond3A_34 = arith.constant 0 : i32
    %cond3A_35 = arith.cmpi ne, %convert_element_type3A_33, %cond3A_34 : i32
    scf.if %cond3A_35 {
      "tpu.region"() ({
        %run_scoped3A = tpu.sem_alloc : memref<!tpu.dma_semaphore, #tpu.memory_space<semaphore_mem>>
        %dma_start3A_36 = tpu.memref_slice %arg10[%mul3A_0] : memref<167936xf32, #tpu.memory_space<hbm>> -> memref<10496xf32, #tpu.memory_space<hbm>>
        %dma_start3A_37 = tpu.memref_slice %arg10[%mul3A_0] : memref<167936xf32, #tpu.memory_space<hbm>> -> memref<10496xf32, #tpu.memory_space<hbm>>
        tpu.enqueue_dma source(%arg14 : memref<10496xf32, #tpu.memory_space<vmem>>) target(%dma_start3A_37 : memref<10496xf32, #tpu.memory_space<hbm>>) target_semaphore(%run_scoped3A : memref<!tpu.dma_semaphore, #tpu.memory_space<semaphore_mem>>)
        %dma_wait3A_38 = tpu.memref_slice %arg10[%mul3A_0] : memref<167936xf32, #tpu.memory_space<hbm>> -> memref<10496xf32, #tpu.memory_space<hbm>>
        %dma_wait3A_39 = tpu.memref_slice %arg10[%mul3A_0] : memref<167936xf32, #tpu.memory_space<hbm>> -> memref<10496xf32, #tpu.memory_space<hbm>>
        tpu.wait_dma2 semaphore(%run_scoped3A : memref<!tpu.dma_semaphore, #tpu.memory_space<semaphore_mem>>) src(%arg14 : memref<10496xf32, #tpu.memory_space<vmem>>) dst(%dma_wait3A_39 : memref<10496xf32, #tpu.memory_space<hbm>>)
        tpu.yield
      }) : () -> ()
    } else {
    }
    return
  }
}

module attributes {stable_mosaic.version = 14 : i64} {
  func.func @_tc_body(%arg0: i32, %arg1: memref<4096x128xf32, #tpu.memory_space<vmem>>, %arg2: memref<4096x128xf32, #tpu.memory_space<vmem>>, %arg3: memref<128x64xf32, #tpu.memory_space<vmem>>, %arg4: memref<1x64xf32, #tpu.memory_space<vmem>>, %arg5: memref<128x64xf32, #tpu.memory_space<vmem>>, %arg6: memref<1x64xf32, #tpu.memory_space<vmem>>, %arg7: memref<1312x128xi32, #tpu.memory_space<vmem>>, %arg8: memref<1312x128xi32, #tpu.memory_space<vmem>>, %arg9: memref<1312x128xf32, #tpu.memory_space<vmem>>, %arg10: memref<1312x128xf32, #tpu.memory_space<vmem>>, %arg11: memref<2x4096x128xf32, #tpu.memory_space<vmem>>, %arg12: memref<2x4096x128xf32, #tpu.memory_space<vmem>>, %arg13: memref<1312x128xi32, #tpu.memory_space<vmem>>, %arg14: memref<1312x128xf32, #tpu.memory_space<vmem>>, %arg15: memref<1312x128xf32, #tpu.memory_space<vmem>>, %arg16: memref<4096x64xf32, #tpu.memory_space<vmem>>, %arg17: memref<4096x64xf32, #tpu.memory_space<vmem>>, %arg18: memref<4096x64xf32, #tpu.memory_space<vmem>>, %arg19: memref<4096x64xf32, #tpu.memory_space<vmem>>) attributes {dimension_semantics = [#tpu.dimension_semantics<arbitrary>], iteration_bounds = array<i64: 16>, scalar_prefetch = 0 : i64, scratch_operands = 4 : i64, tpu.core_type = #tpu.core_type<tc>, window_params = [{pipeline_mode = #tpu.pipeline_mode<synchronous>, transform_indices = @transform_0, window_bounds = array<i64: 4096, 128>}, {pipeline_mode = #tpu.pipeline_mode<synchronous>, transform_indices = @transform_1, window_bounds = array<i64: 4096, 128>}, {pipeline_mode = #tpu.pipeline_mode<synchronous>, transform_indices = @transform_2, window_bounds = array<i64: 128, 64>}, {pipeline_mode = #tpu.pipeline_mode<synchronous>, transform_indices = @transform_3, window_bounds = array<i64: 1, 64>}, {pipeline_mode = #tpu.pipeline_mode<synchronous>, transform_indices = @transform_4, window_bounds = array<i64: 128, 64>}, {pipeline_mode = #tpu.pipeline_mode<synchronous>, transform_indices = @transform_5, window_bounds = array<i64: 1, 64>}, {pipeline_mode = #tpu.pipeline_mode<synchronous>, transform_indices = @transform_6, window_bounds = array<i64: 1312, 128>}, {pipeline_mode = #tpu.pipeline_mode<synchronous>, transform_indices = @transform_7, window_bounds = array<i64: 1312, 128>}, {pipeline_mode = #tpu.pipeline_mode<synchronous>, transform_indices = @transform_8, window_bounds = array<i64: 1312, 128>}, {pipeline_mode = #tpu.pipeline_mode<synchronous>, transform_indices = @transform_9, window_bounds = array<i64: 1312, 128>}, {transform_indices = @transform_10, window_bounds = array<i64: 2, 4096, 128>}, {transform_indices = @transform_11, window_bounds = array<i64: 2, 4096, 128>}, {pipeline_mode = #tpu.pipeline_mode<synchronous>, transform_indices = @transform_12, window_bounds = array<i64: 1312, 128>}, {pipeline_mode = #tpu.pipeline_mode<synchronous>, transform_indices = @transform_13, window_bounds = array<i64: 1312, 128>}, {pipeline_mode = #tpu.pipeline_mode<synchronous>, transform_indices = @transform_14, window_bounds = array<i64: 1312, 128>}]} {
    %eq3A = arith.constant 0 : i32
    %eq3A_0 = arith.cmpi eq, %arg0, %eq3A : i32
    %convert_element_type3A = arith.extui %eq3A_0 : i1 to i32
    %cond3A = arith.constant 0 : i32
    %cond3A_1 = arith.cmpi ne, %convert_element_type3A, %cond3A : i32
    scf.if %cond3A_1 {
      %get3A_77 = arith.constant 0 : index
      %get3A_78 = arith.constant 0 : index
      %get3A_79 = vector.load %arg1[%get3A_77, %get3A_78] : memref<4096x128xf32, #tpu.memory_space<vmem>>, vector<4096x128xf32>
      %get3A_80 = arith.constant 0 : index
      %get3A_81 = arith.constant 0 : index
      %get3A_82 = vector.load %arg2[%get3A_80, %get3A_81] : memref<4096x128xf32, #tpu.memory_space<vmem>>, vector<4096x128xf32>
      %get3A_83 = arith.constant 0 : index
      %get3A_84 = arith.constant 0 : index
      %get3A_85 = vector.load %arg3[%get3A_83, %get3A_84] : memref<128x64xf32, #tpu.memory_space<vmem>>, vector<128x64xf32>
      %get3A_86 = arith.constant 0 : index
      %get3A_87 = arith.constant 0 : index
      %get3A_88 = vector.load %arg5[%get3A_86, %get3A_87] : memref<128x64xf32, #tpu.memory_space<vmem>>, vector<128x64xf32>
      %get3A_89 = arith.constant 0 : index
      %get3A_90 = arith.constant 0 : index
      %get3A_91 = vector.load %arg4[%get3A_89, %get3A_90] : memref<1x64xf32, #tpu.memory_space<vmem>>, vector<1x64xf32>
      %get3A_92 = arith.constant 0 : index
      %get3A_93 = arith.constant 0 : index
      %get3A_94 = vector.load %arg6[%get3A_92, %get3A_93] : memref<1x64xf32, #tpu.memory_space<vmem>>, vector<1x64xf32>
      %dot_general3A_95 = arith.constant dense<0.000000e+00> : vector<4096x64xf32>
      %dot_general3A_96 = tpu.matmul %get3A_79, %get3A_85, %dot_general3A_95 {dimension_numbers = #tpu.dot_dimension_numbers<[1], [0], [0], [1], [0, 0, 1, 1], [], []>, transpose_lhs_hint = false} : vector<4096x128xf32>, vector<128x64xf32>, vector<4096x64xf32> -> vector<4096x64xf32>
      %add3A_97 = vector.broadcast %get3A_91 : vector<1x64xf32> to vector<4096x64xf32>
      %add3A_98 = arith.addf %dot_general3A_96, %add3A_97 : vector<4096x64xf32>
      %swap3A_99 = arith.constant 0 : index
      %swap3A_100 = arith.constant 0 : index
      %swap3A_101 = vector.load %arg16[%swap3A_99, %swap3A_100] : memref<4096x64xf32, #tpu.memory_space<vmem>>, vector<4096x64xf32>
      tpu.vector_store %arg16[%swap3A_99, %swap3A_100], %add3A_98 {strides = array<i32>} : memref<4096x64xf32, #tpu.memory_space<vmem>>, vector<4096x64xf32>,
      %dot_general3A_102 = arith.constant dense<0.000000e+00> : vector<4096x64xf32>
      %dot_general3A_103 = tpu.matmul %get3A_79, %get3A_88, %dot_general3A_102 {dimension_numbers = #tpu.dot_dimension_numbers<[1], [0], [0], [1], [0, 0, 1, 1], [], []>, transpose_lhs_hint = false} : vector<4096x128xf32>, vector<128x64xf32>, vector<4096x64xf32> -> vector<4096x64xf32>
      %add3A_104 = vector.broadcast %get3A_94 : vector<1x64xf32> to vector<4096x64xf32>
      %add3A_105 = arith.addf %dot_general3A_103, %add3A_104 : vector<4096x64xf32>
      %swap3A_106 = arith.constant 0 : index
      %swap3A_107 = arith.constant 0 : index
      %swap3A_108 = vector.load %arg17[%swap3A_106, %swap3A_107] : memref<4096x64xf32, #tpu.memory_space<vmem>>, vector<4096x64xf32>
      tpu.vector_store %arg17[%swap3A_106, %swap3A_107], %add3A_105 {strides = array<i32>} : memref<4096x64xf32, #tpu.memory_space<vmem>>, vector<4096x64xf32>,
      %dot_general3A_109 = arith.constant dense<0.000000e+00> : vector<4096x64xf32>
      %dot_general3A_110 = tpu.matmul %get3A_82, %get3A_85, %dot_general3A_109 {dimension_numbers = #tpu.dot_dimension_numbers<[1], [0], [0], [1], [0, 0, 1, 1], [], []>, transpose_lhs_hint = false} : vector<4096x128xf32>, vector<128x64xf32>, vector<4096x64xf32> -> vector<4096x64xf32>
      %add3A_111 = vector.broadcast %get3A_91 : vector<1x64xf32> to vector<4096x64xf32>
      %add3A_112 = arith.addf %dot_general3A_110, %add3A_111 : vector<4096x64xf32>
      %swap3A_113 = arith.constant 0 : index
      %swap3A_114 = arith.constant 0 : index
      %swap3A_115 = vector.load %arg18[%swap3A_113, %swap3A_114] : memref<4096x64xf32, #tpu.memory_space<vmem>>, vector<4096x64xf32>
      tpu.vector_store %arg18[%swap3A_113, %swap3A_114], %add3A_112 {strides = array<i32>} : memref<4096x64xf32, #tpu.memory_space<vmem>>, vector<4096x64xf32>,
      %dot_general3A_116 = arith.constant dense<0.000000e+00> : vector<4096x64xf32>
      %dot_general3A_117 = tpu.matmul %get3A_82, %get3A_88, %dot_general3A_116 {dimension_numbers = #tpu.dot_dimension_numbers<[1], [0], [0], [1], [0, 0, 1, 1], [], []>, transpose_lhs_hint = false} : vector<4096x128xf32>, vector<128x64xf32>, vector<4096x64xf32> -> vector<4096x64xf32>
      %add3A_118 = vector.broadcast %get3A_94 : vector<1x64xf32> to vector<4096x64xf32>
      %add3A_119 = arith.addf %dot_general3A_117, %add3A_118 : vector<4096x64xf32>
      %swap3A_120 = arith.constant 0 : index
      %swap3A_121 = arith.constant 0 : index
      %swap3A_122 = vector.load %arg19[%swap3A_120, %swap3A_121] : memref<4096x64xf32, #tpu.memory_space<vmem>>, vector<4096x64xf32>
      tpu.vector_store %arg19[%swap3A_120, %swap3A_121], %add3A_119 {strides = array<i32>} : memref<4096x64xf32, #tpu.memory_space<vmem>>, vector<4096x64xf32>,
      %get3A_123 = arith.constant 0 : index
      %get3A_124 = arith.constant 0 : index
      %get3A_125 = vector.load %arg7[%get3A_123, %get3A_124] : memref<1312x128xi32, #tpu.memory_space<vmem>>, vector<1312x128xi32>
      %get3A_126 = arith.constant 0 : index
      %get3A_127 = arith.constant 0 : index
      %get3A_128 = vector.load %arg8[%get3A_126, %get3A_127] : memref<1312x128xi32, #tpu.memory_space<vmem>>, vector<1312x128xi32>
      %jit3A = arith.constant 128 : i32
      %div3A = vector.broadcast %jit3A : i32 to vector<1312x128xi32>
      %div3A_129 = arith.divsi %get3A_128, %div3A : vector<1312x128xi32>
      %sign3A = arith.constant 0 : i32
      %sign3A_130 = vector.broadcast %sign3A : i32 to vector<1312x128xi32>
      %sign3A_131 = arith.cmpi sgt, %get3A_128, %sign3A_130 : vector<1312x128xi32>
      %sign3A_132 = arith.extui %sign3A_131 : vector<1312x128xi1> to vector<1312x128xi32>
      %sign3A_133 = arith.constant 0 : i32
      %sign3A_134 = vector.broadcast %sign3A_133 : i32 to vector<1312x128xi32>
      %sign3A_135 = arith.cmpi slt, %get3A_128, %sign3A_134 : vector<1312x128xi32>
      %sign3A_136 = arith.extui %sign3A_135 : vector<1312x128xi1> to vector<1312x128xi32>
      %sign3A_137 = arith.subi %sign3A_132, %sign3A_136 : vector<1312x128xi32>
      %sign3A_138 = arith.constant 0 : i32
      %sign3A_139 = arith.cmpi sgt, %jit3A, %sign3A_138 : i32
      %sign3A_140 = arith.extui %sign3A_139 : i1 to i32
      %sign3A_141 = arith.constant 0 : i32
      %sign3A_142 = arith.cmpi slt, %jit3A, %sign3A_141 : i32
      %sign3A_143 = arith.extui %sign3A_142 : i1 to i32
      %sign3A_144 = arith.subi %sign3A_140, %sign3A_143 : i32
      %ne3A = vector.broadcast %sign3A_144 : i32 to vector<1312x128xi32>
      %ne3A_145 = arith.cmpi ne, %sign3A_137, %ne3A : vector<1312x128xi32>
      %rem3A = vector.broadcast %jit3A : i32 to vector<1312x128xi32>
      %rem3A_146 = arith.remsi %get3A_128, %rem3A : vector<1312x128xi32>
      %ne3A_147 = arith.constant 0 : i32
      %ne3A_148 = vector.broadcast %ne3A_147 : i32 to vector<1312x128xi32>
      %ne3A_149 = arith.cmpi ne, %rem3A_146, %ne3A_148 : vector<1312x128xi32>
      %and3A = arith.andi %ne3A_145, %ne3A_149 : vector<1312x128xi1>
      %sub3A = arith.constant 1 : i32
      %sub3A_150 = vector.broadcast %sub3A : i32 to vector<1312x128xi32>
      %sub3A_151 = arith.subi %div3A_129, %sub3A_150 : vector<1312x128xi32>
      %select_n3A = arith.select %and3A, %sub3A_151, %div3A_129 : vector<1312x128xi1>, vector<1312x128xi32>
      %mul3A_152 = arith.constant 524288 : i32
      %mul3A_153 = vector.broadcast %mul3A_152 : i32 to vector<1312x128xi32>
      %mul3A_154 = arith.muli %select_n3A, %mul3A_153 : vector<1312x128xi32>
      %mul3A_155 = arith.constant 128 : i32
      %mul3A_156 = vector.broadcast %mul3A_155 : i32 to vector<1312x128xi32>
      %mul3A_157 = arith.muli %get3A_125, %mul3A_156 : vector<1312x128xi32>
      %add3A_158 = arith.addi %mul3A_154, %mul3A_157 : vector<1312x128xi32>
      %mul3A_159 = arith.constant 128 : i32
      %mul3A_160 = vector.broadcast %mul3A_159 : i32 to vector<1312x128xi32>
      %mul3A_161 = arith.muli %select_n3A, %mul3A_160 : vector<1312x128xi32>
      %sub3A_162 = arith.subi %get3A_128, %mul3A_161 : vector<1312x128xi32>
      %add3A_163 = arith.addi %add3A_158, %sub3A_162 : vector<1312x128xi32>
      %swap3A_164 = arith.constant 0 : index
      %swap3A_165 = arith.constant 0 : index
      %swap3A_166 = vector.load %arg13[%swap3A_164, %swap3A_165] : memref<1312x128xi32, #tpu.memory_space<vmem>>, vector<1312x128xi32>
      tpu.vector_store %arg13[%swap3A_164, %swap3A_165], %add3A_163 {strides = array<i32>} : memref<1312x128xi32, #tpu.memory_space<vmem>>, vector<1312x128xi32>,
      %iota3A = tpu.iota {dimensions = array<i32: 0>} : vector<1312x128xi32>
      %mul3A_167 = arith.constant 128 : i32
      %mul3A_168 = vector.broadcast %mul3A_167 : i32 to vector<1312x128xi32>
      %mul3A_169 = arith.muli %iota3A, %mul3A_168 : vector<1312x128xi32>
      %iota3A_170 = tpu.iota {dimensions = array<i32: 1>} : vector<1312x128xi32>
      %add3A_171 = arith.addi %mul3A_169, %iota3A_170 : vector<1312x128xi32>
      %ge3A = arith.constant 167772 : i32
      %ge3A_172 = vector.broadcast %ge3A : i32 to vector<1312x128xi32>
      %ge3A_173 = arith.cmpi sge, %add3A_171, %ge3A_172 : vector<1312x128xi32>
      %convert_element_type3A_174 = arith.extui %ge3A_173 : vector<1312x128xi1> to vector<1312x128xi32>
      %convert_element_type3A_175 = arith.sitofp %convert_element_type3A_174 : vector<1312x128xi32> to vector<1312x128xf32>
      %mul3A_176 = arith.constant 1.000000e+30 : f32
      %mul3A_177 = vector.broadcast %mul3A_176 : f32 to vector<1312x128xf32>
      %mul3A_178 = arith.mulf %convert_element_type3A_175, %mul3A_177 : vector<1312x128xf32>
      %get3A_179 = arith.constant 0 : index
      %get3A_180 = arith.constant 0 : index
      %get3A_181 = vector.load %arg9[%get3A_179, %get3A_180] : memref<1312x128xf32, #tpu.memory_space<vmem>>, vector<1312x128xf32>
      %log3A = math.log %get3A_181 : vector<1312x128xf32>
      %neg3A = arith.constant 0.000000e+00 : f32
      %neg3A_182 = vector.broadcast %neg3A : f32 to vector<1312x128xf32>
      %neg3A_183 = arith.subf %neg3A_182, %log3A : vector<1312x128xf32>
      %log3A_184 = math.log %neg3A_183 : vector<1312x128xf32>
      %add3A_185 = arith.addf %log3A_184, %mul3A_178 : vector<1312x128xf32>
      %swap3A_186 = arith.constant 0 : index
      %swap3A_187 = arith.constant 0 : index
      %swap3A_188 = vector.load %arg14[%swap3A_186, %swap3A_187] : memref<1312x128xf32, #tpu.memory_space<vmem>>, vector<1312x128xf32>
      tpu.vector_store %arg14[%swap3A_186, %swap3A_187], %add3A_185 {strides = array<i32>} : memref<1312x128xf32, #tpu.memory_space<vmem>>, vector<1312x128xf32>,
      %get3A_189 = arith.constant 0 : index
      %get3A_190 = arith.constant 0 : index
      %get3A_191 = vector.load %arg10[%get3A_189, %get3A_190] : memref<1312x128xf32, #tpu.memory_space<vmem>>, vector<1312x128xf32>
      %log3A_192 = math.log %get3A_191 : vector<1312x128xf32>
      %neg3A_193 = arith.constant 0.000000e+00 : f32
      %neg3A_194 = vector.broadcast %neg3A_193 : f32 to vector<1312x128xf32>
      %neg3A_195 = arith.subf %neg3A_194, %log3A_192 : vector<1312x128xf32>
      %log3A_196 = math.log %neg3A_195 : vector<1312x128xf32>
      %add3A_197 = arith.addf %log3A_196, %mul3A_178 : vector<1312x128xf32>
      %swap3A_198 = arith.constant 0 : index
      %swap3A_199 = arith.constant 0 : index
      %swap3A_200 = vector.load %arg15[%swap3A_198, %swap3A_199] : memref<1312x128xf32, #tpu.memory_space<vmem>>, vector<1312x128xf32>
      tpu.vector_store %arg15[%swap3A_198, %swap3A_199], %add3A_197 {strides = array<i32>} : memref<1312x128xf32, #tpu.memory_space<vmem>>, vector<1312x128xf32>,
    } else {
    }
    %mul3A = arith.constant 2 : i32
    %mul3A_2 = arith.muli %mul3A, %arg0 : i32
    %add3A = arith.constant 0 : i32
    %add3A_3 = arith.addi %mul3A_2, %add3A : i32
    %mul3A_4 = arith.constant 128 : i32
    %mul3A_5 = arith.muli %add3A_3, %mul3A_4 : i32
    %get3A = arith.index_cast %mul3A_5 : i32 to index
    %get3A_6 = arith.constant 0 : index
    %get3A_7 = vector.load %arg19[%get3A, %get3A_6] : memref<4096x64xf32, #tpu.memory_space<vmem>>, vector<128x64xf32>
    %mul3A_8 = arith.constant 2 : i32
    %mul3A_9 = arith.muli %mul3A_8, %arg0 : i32
    %add3A_10 = arith.constant 0 : i32
    %add3A_11 = arith.addi %mul3A_9, %add3A_10 : i32
    %mul3A_12 = arith.constant 128 : i32
    %mul3A_13 = arith.muli %add3A_11, %mul3A_12 : i32
    %get3A_14 = arith.index_cast %mul3A_13 : i32 to index
    %get3A_15 = arith.constant 0 : index
    %get3A_16 = vector.load %arg18[%get3A_14, %get3A_15] : memref<4096x64xf32, #tpu.memory_space<vmem>>, vector<128x64xf32>
    %get3A_17 = arith.constant 0 : index
    %get3A_18 = arith.constant 0 : index
    %get3A_19 = vector.load %arg16[%get3A_17, %get3A_18] : memref<4096x64xf32, #tpu.memory_space<vmem>>, vector<4096x64xf32>
    %dot_general3A = arith.constant dense<0.000000e+00> : vector<4096x128xf32>
    %dot_general3A_20 = tpu.matmul %get3A_19, %get3A_7, %dot_general3A {dimension_numbers = #tpu.dot_dimension_numbers<[1], [1], [0], [0], [0, 0, 1, 0], [], []>, transpose_lhs_hint = false} : vector<4096x64xf32>, vector<128x64xf32>, vector<4096x128xf32> -> vector<4096x128xf32>
    %swap3A = arith.constant 0 : index
    %swap3A_21 = arith.constant 0 : index
    %swap3A_22 = arith.constant 0 : index
    %swap3A_23 = vector.load %arg11[%swap3A, %swap3A_21, %swap3A_22] : memref<2x4096x128xf32, #tpu.memory_space<vmem>>, vector<1x4096x128xf32>
    %swap3A_24 = vector.shape_cast %swap3A_23 : vector<1x4096x128xf32> to vector<4096x128xf32>
    %swap3A_25 = vector.shape_cast %dot_general3A_20 : vector<4096x128xf32> to vector<1x4096x128xf32>
    tpu.vector_store %arg11[%swap3A, %swap3A_21, %swap3A_22], %swap3A_25 {strides = array<i32>} : memref<2x4096x128xf32, #tpu.memory_space<vmem>>, vector<1x4096x128xf32>,
    %get3A_26 = arith.constant 0 : index
    %get3A_27 = arith.constant 0 : index
    %get3A_28 = vector.load %arg17[%get3A_26, %get3A_27] : memref<4096x64xf32, #tpu.memory_space<vmem>>, vector<4096x64xf32>
    %dot_general3A_29 = arith.constant dense<0.000000e+00> : vector<4096x128xf32>
    %dot_general3A_30 = tpu.matmul %get3A_28, %get3A_16, %dot_general3A_29 {dimension_numbers = #tpu.dot_dimension_numbers<[1], [1], [0], [0], [0, 0, 1, 0], [], []>, transpose_lhs_hint = false} : vector<4096x64xf32>, vector<128x64xf32>, vector<4096x128xf32> -> vector<4096x128xf32>
    %swap3A_31 = arith.constant 0 : index
    %swap3A_32 = arith.constant 0 : index
    %swap3A_33 = arith.constant 0 : index
    %swap3A_34 = vector.load %arg12[%swap3A_31, %swap3A_32, %swap3A_33] : memref<2x4096x128xf32, #tpu.memory_space<vmem>>, vector<1x4096x128xf32>
    %swap3A_35 = vector.shape_cast %swap3A_34 : vector<1x4096x128xf32> to vector<4096x128xf32>
    %swap3A_36 = vector.shape_cast %dot_general3A_30 : vector<4096x128xf32> to vector<1x4096x128xf32>
    tpu.vector_store %arg12[%swap3A_31, %swap3A_32, %swap3A_33], %swap3A_36 {strides = array<i32>} : memref<2x4096x128xf32, #tpu.memory_space<vmem>>, vector<1x4096x128xf32>,
    %mul3A_37 = arith.constant 2 : i32
    %mul3A_38 = arith.muli %mul3A_37, %arg0 : i32
    %add3A_39 = arith.constant 1 : i32
    %add3A_40 = arith.addi %mul3A_38, %add3A_39 : i32
    %mul3A_41 = arith.constant 128 : i32
    %mul3A_42 = arith.muli %add3A_40, %mul3A_41 : i32
    %get3A_43 = arith.index_cast %mul3A_42 : i32 to index
    %get3A_44 = arith.constant 0 : index
    %get3A_45 = vector.load %arg19[%get3A_43, %get3A_44] : memref<4096x64xf32, #tpu.memory_space<vmem>>, vector<128x64xf32>
    %mul3A_46 = arith.constant 2 : i32
    %mul3A_47 = arith.muli %mul3A_46, %arg0 : i32
    %add3A_48 = arith.constant 1 : i32
    %add3A_49 = arith.addi %mul3A_47, %add3A_48 : i32
    %mul3A_50 = arith.constant 128 : i32
    %mul3A_51 = arith.muli %add3A_49, %mul3A_50 : i32
    %get3A_52 = arith.index_cast %mul3A_51 : i32 to index
    %get3A_53 = arith.constant 0 : index
    %get3A_54 = vector.load %arg18[%get3A_52, %get3A_53] : memref<4096x64xf32, #tpu.memory_space<vmem>>, vector<128x64xf32>
    %get3A_55 = arith.constant 0 : index
    %get3A_56 = arith.constant 0 : index
    %get3A_57 = vector.load %arg16[%get3A_55, %get3A_56] : memref<4096x64xf32, #tpu.memory_space<vmem>>, vector<4096x64xf32>
    %dot_general3A_58 = arith.constant dense<0.000000e+00> : vector<4096x128xf32>
    %dot_general3A_59 = tpu.matmul %get3A_57, %get3A_45, %dot_general3A_58 {dimension_numbers = #tpu.dot_dimension_numbers<[1], [1], [0], [0], [0, 0, 1, 0], [], []>, transpose_lhs_hint = false} : vector<4096x64xf32>, vector<128x64xf32>, vector<4096x128xf32> -> vector<4096x128xf32>
    %swap3A_60 = arith.constant 1 : index
    %swap3A_61 = arith.constant 0 : index
    %swap3A_62 = arith.constant 0 : index
    %swap3A_63 = vector.load %arg11[%swap3A_60, %swap3A_61, %swap3A_62] : memref<2x4096x128xf32, #tpu.memory_space<vmem>>, vector<1x4096x128xf32>
    %swap3A_64 = vector.shape_cast %swap3A_63 : vector<1x4096x128xf32> to vector<4096x128xf32>
    %swap3A_65 = vector.shape_cast %dot_general3A_59 : vector<4096x128xf32> to vector<1x4096x128xf32>
    tpu.vector_store %arg11[%swap3A_60, %swap3A_61, %swap3A_62], %swap3A_65 {strides = array<i32>} : memref<2x4096x128xf32, #tpu.memory_space<vmem>>, vector<1x4096x128xf32>,
    %get3A_66 = arith.constant 0 : index
    %get3A_67 = arith.constant 0 : index
    %get3A_68 = vector.load %arg17[%get3A_66, %get3A_67] : memref<4096x64xf32, #tpu.memory_space<vmem>>, vector<4096x64xf32>
    %dot_general3A_69 = arith.constant dense<0.000000e+00> : vector<4096x128xf32>
    %dot_general3A_70 = tpu.matmul %get3A_68, %get3A_54, %dot_general3A_69 {dimension_numbers = #tpu.dot_dimension_numbers<[1], [1], [0], [0], [0, 0, 1, 0], [], []>, transpose_lhs_hint = false} : vector<4096x64xf32>, vector<128x64xf32>, vector<4096x128xf32> -> vector<4096x128xf32>
    %swap3A_71 = arith.constant 1 : index
    %swap3A_72 = arith.constant 0 : index
    %swap3A_73 = arith.constant 0 : index
    %swap3A_74 = vector.load %arg12[%swap3A_71, %swap3A_72, %swap3A_73] : memref<2x4096x128xf32, #tpu.memory_space<vmem>>, vector<1x4096x128xf32>
    %swap3A_75 = vector.shape_cast %swap3A_74 : vector<1x4096x128xf32> to vector<4096x128xf32>
    %swap3A_76 = vector.shape_cast %dot_general3A_70 : vector<4096x128xf32> to vector<1x4096x128xf32>
    tpu.vector_store %arg12[%swap3A_71, %swap3A_72, %swap3A_73], %swap3A_76 {strides = array<i32>} : memref<2x4096x128xf32, #tpu.memory_space<vmem>>, vector<1x4096x128xf32>,
    return
  }
  func.func @transform_0(%arg0: i32) -> (i32, i32) {
    %c0_i32 = arith.constant 0 : i32
    %c0_i32_0 = arith.constant 0 : i32
    %c0_i32_1 = arith.constant 0 : i32
    return %c0_i32, %c0_i32_0 : i32, i32
  }
  func.func @transform_1(%arg0: i32) -> (i32, i32) {
    %c0_i32 = arith.constant 0 : i32
    %c0_i32_0 = arith.constant 0 : i32
    %c0_i32_1 = arith.constant 0 : i32
    return %c0_i32, %c0_i32_0 : i32, i32
  }
  func.func @transform_2(%arg0: i32) -> (i32, i32) {
    %c0_i32 = arith.constant 0 : i32
    %c0_i32_0 = arith.constant 0 : i32
    %c0_i32_1 = arith.constant 0 : i32
    return %c0_i32, %c0_i32_0 : i32, i32
  }
  func.func @transform_3(%arg0: i32) -> (i32, i32) {
    %c0_i32 = arith.constant 0 : i32
    %c0_i32_0 = arith.constant 0 : i32
    %c0_i32_1 = arith.constant 0 : i32
    return %c0_i32, %c0_i32_0 : i32, i32
  }
  func.func @transform_4(%arg0: i32) -> (i32, i32) {
    %c0_i32 = arith.constant 0 : i32
    %c0_i32_0 = arith.constant 0 : i32
    %c0_i32_1 = arith.constant 0 : i32
    return %c0_i32, %c0_i32_0 : i32, i32
  }
  func.func @transform_5(%arg0: i32) -> (i32, i32) {
    %c0_i32 = arith.constant 0 : i32
    %c0_i32_0 = arith.constant 0 : i32
    %c0_i32_1 = arith.constant 0 : i32
    return %c0_i32, %c0_i32_0 : i32, i32
  }
  func.func @transform_6(%arg0: i32) -> (i32, i32) {
    %c0_i32 = arith.constant 0 : i32
    %c0_i32_0 = arith.constant 0 : i32
    %c0_i32_1 = arith.constant 0 : i32
    return %c0_i32, %c0_i32_0 : i32, i32
  }
  func.func @transform_7(%arg0: i32) -> (i32, i32) {
    %c0_i32 = arith.constant 0 : i32
    %c0_i32_0 = arith.constant 0 : i32
    %c0_i32_1 = arith.constant 0 : i32
    return %c0_i32, %c0_i32_0 : i32, i32
  }
  func.func @transform_8(%arg0: i32) -> (i32, i32) {
    %c0_i32 = arith.constant 0 : i32
    %c0_i32_0 = arith.constant 0 : i32
    %c0_i32_1 = arith.constant 0 : i32
    return %c0_i32, %c0_i32_0 : i32, i32
  }
  func.func @transform_9(%arg0: i32) -> (i32, i32) {
    %c0_i32 = arith.constant 0 : i32
    %c0_i32_0 = arith.constant 0 : i32
    %c0_i32_1 = arith.constant 0 : i32
    return %c0_i32, %c0_i32_0 : i32, i32
  }
  func.func @transform_10(%arg0: i32) -> (i32, i32, i32) {
    %c0_i32 = arith.constant 0 : i32
    %c0_i32_0 = arith.constant 0 : i32
    %c0_i32_1 = arith.constant 0 : i32
    return %arg0, %c0_i32, %c0_i32_0 : i32, i32, i32
  }
  func.func @transform_11(%arg0: i32) -> (i32, i32, i32) {
    %c0_i32 = arith.constant 0 : i32
    %c0_i32_0 = arith.constant 0 : i32
    %c0_i32_1 = arith.constant 0 : i32
    return %arg0, %c0_i32, %c0_i32_0 : i32, i32, i32
  }
  func.func @transform_12(%arg0: i32) -> (i32, i32) {
    %c0_i32 = arith.constant 0 : i32
    %c0_i32_0 = arith.constant 0 : i32
    %c0_i32_1 = arith.constant 0 : i32
    return %c0_i32, %c0_i32_0 : i32, i32
  }
  func.func @transform_13(%arg0: i32) -> (i32, i32) {
    %c0_i32 = arith.constant 0 : i32
    %c0_i32_0 = arith.constant 0 : i32
    %c0_i32_1 = arith.constant 0 : i32
    return %c0_i32, %c0_i32_0 : i32, i32
  }
  func.func @transform_14(%arg0: i32) -> (i32, i32) {
    %c0_i32 = arith.constant 0 : i32
    %c0_i32_0 = arith.constant 0 : i32
    %c0_i32_1 = arith.constant 0 : i32
    return %c0_i32, %c0_i32_0 : i32, i32
  }
}

</mosaic_0001>

<sc_bundles>
// kernel: kernel.4.cloned.1.call-start
scs
__scs_entry_jumppad:
0x0: {  	(pc) =	sbr.rel $0x88, $3  }
0x1: {  	(tag) =	ssettag $0x0;
	lr =	simm.s32 $0x1  }
0x2: {  	[smem:$0x3F98] =	sst lr;
	_ =	strace $0xD0000000  }
0x3: {  	_ = 	snop  }
0x4: {  	_ = 	snop  }
0x5: {  	_ = 	snop  }
0x6: {  	_ = 	snop  }
0x7: {  	_ = 	snop  }
__scs_overlays_trampoline_lowered:
0x8: {  	[smem:$0x3FA7] =	sst s0  }
0x9: {  	[smem:$0x3FA8] =	sst s1  }
0xa: {  	[smem:$0x3FA9] =	sst s2  }
0xb: {  	[smem:$0x3FAA] =	sst s3  }
0xc: {  	[smem:$0x3FAB] =	sst s4  }
0xd: {  	[smem:$0x3FAC] =	sst s5  }
0xe: {  	[smem:$0x3FAD] =	sst s6  }
0xf: {  	[smem:$0x3FAE] =	sst s7  }
0x10: {  	[smem:$0x3FAF] =	sst s8  }
0x11: {  	[smem:$0x3FB0] =	sst s9;
	s0 =	simm.s32 @!p0 $0x0  }
0x12: {  	s1 =	sld [smem:$0x3F96];
	s0 =	simm.s32 @p0 $0x1  }
0x13: {  	[smem:$0x3FB1] =	sst s0;
	s0 =	simm.s32 @!p1 $0x0  }
0x14: {  	s2 =	sld [smem:$0x3F95];
	s0 =	simm.s32 @p1 $0x1  }
0x15: {  	[smem:$0x3FB2] =	sst s0;
	s0 =	simm.s32 @!p2 $0x0  }
0x16: {  	s3 =	sld [smem:$0x3FDB];
	s0 =	simm.s32 @p2 $0x1  }
0x17: {  	s4 =	simm.s32 $0x1BF5;
	[smem:$0x3FB4] =	sst s0  }
0x18: {  	s0 =	sld [smem:$0x3F97];
	_ =	swait.ge [sflag:s4], $0x0  }
0x19: {  	s7 =	sld [smem:$0x3F98]  }
0x1a: {  	s8 =	sadd.s32 $0xFFFFE003, lr  }
0x1b: {  	s9 =	sadd.s32 $0xFFFFFEF7, lr;
	s5 =	simm.s32 $0xFFFFFFFF;
	p2 =	slt.u32 s8, $0xFFFFF086  }
0x1c: {  	p1 =	slt.u32 s9, $0xF7A;
	s5 =	simm.s32 @!p2 $0x0  }
0x1d: {  	s5 =	simm.s32 @p1 $0x1;
	p0 =	seq.s32 s7, s2  }
0x1e: {  	s7 =	smul.u32 @!p0 $0xF7A, s2;
	p2 =	seq.s32 @!p0 s5, $0x0  }
0x1f: {  	s9 =	smul.u32 $0xF7A, s1;
	s8 =	simm.s32 @!p0 $0x1BF5;
	p2 =	por !p2, p0  }
0x20: {  	[sflag:s8] =	ssyncset.s32 @!p0 $0xFFFFF086;
	s6 =	sadd.s32 @!p0 s3, s7;
	s7 =	simm.s32 @!p0 $0x108  }
0x21: {  	s3 =	sadd.s32 s3, s9;
	s6 =	sadd.s32 @!p0 $0x88, s6;
	s7 =	simm.s32 @p2 $0x1082  }
0x22: {  	[simem:s7], [sflag:s8] =	dma.local @!p0 [hbm:s6], $0xF7A  }
0x23: {  	s9 =	sor.u32 $0xD0000000, s2;
	s6 =	simm.s32 $0x108;
	_ =	swait.ge @!p0 [sflag:s8], $0x0  }
0x24: {  	s3 =	sadd.s32 $0x88, s3;
	s6 =	simm.s32 @!p1 $0x1082;
	[sflag:s4] =	ssyncset.s32 $0xFFFFF086  }
0x25: {  	[simem:s6], [sflag:s4] =	dma.local [hbm:s3], $0xF7A  }
0x26: {  	[smem:$0x3F98] =	sst s1;
	(tag) =	ssettag s2;
	_ =	strace s9  }
0x27: {  	s1 =	sld [smem:$0x3FA8]  }
0x28: {  	s2 =	sld [smem:$0x3FA9]  }
0x29: {  	s4 =	sld [smem:$0x3FAB]  }
0x2a: {  	p0 =	seq.s32 s5, $0x0;
	s5 =	sld [smem:$0x3FAC]  }
0x2b: {  	s6 =	sld [smem:$0x3FAD]  }
0x2c: {  	s7 =	sld [smem:$0x3FAE]  }
0x2d: {  	s3 =	simm.s32 $0x108;
	s8 =	sld [smem:$0x3FAF]  }
0x2e: {  	s3 =	simm.s32 @!p0 $0x1082;
	s9 =	sld [smem:$0x3FB0]  }
0x2f: {  	lr =	sadd.s32 s0, s3;
	s0 =	sld [smem:$0x3FA7]  }
0x30: {  	s3 =	sld [smem:$0x3FAA]  }
0x31: {  	[smem:$0x3FB3] =	sst s10  }
0x32: {  	s10 =	sld [smem:$0x3FB1];
	_ =	sdelay $0x3  }
0x33: {  	p0 =	seq.s32 s10, $0x1;
	s10 =	sld [smem:$0x3FB3];
	_ =	sdelay $0x3  }
0x34: {  	[smem:$0x3FB3] =	sst s10  }
0x35: {  	s10 =	sld [smem:$0x3FB2];
	_ =	sdelay $0x3  }
0x36: {  	p1 =	seq.s32 s10, $0x1;
	s10 =	sld [smem:$0x3FB3];
	_ =	sdelay $0x3  }
0x37: {  	[smem:$0x3FB3] =	sst s10  }
0x38: {  	s10 =	sld [smem:$0x3FB4]  }
0x39: {  	_ = 	snop;
	(pc) =	sbr.ind lr, $3  }
0x3a: {  	_ = 	snop  }
0x3b: {  	_ = 	snop  }
0x3c: {  	p2 =	seq.s32 s10, $0x1;
	s10 =	sld [smem:$0x3FB3]  }
0x3d: {  	_ =	shalt  }
0x3e: {  	_ =	shalt  }
0x3f: {  	_ =	shalt  }
0x40: {  	_ =	shalt  }
0x41: {  	_ =	shalt  }
0x42: {  	_ =	shalt  }
0x43: {  	_ =	shalt  }
0x44: {  	_ =	shalt  }
0x45: {  	_ =	shalt  }
0x46: {  	_ =	shalt  }
0x47: {  	_ =	shalt  }
0x48: {  	_ =	shalt  }
0x49: {  	_ =	shalt  }
0x4a: {  	_ =	shalt  }
0x4b: {  	_ =	shalt  }
0x4c: {  	_ =	shalt  }
0x4d: {  	_ =	shalt  }
0x4e: {  	_ =	shalt  }
0x4f: {  	_ =	shalt  }
0x50: {  	_ =	shalt  }
0x51: {  	_ =	shalt  }
0x52: {  	_ =	shalt  }
0x53: {  	_ =	shalt  }
0x54: {  	_ =	shalt  }
0x55: {  	_ =	shalt  }
0x56: {  	_ =	shalt  }
0x57: {  	_ =	shalt  }
0x58: {  	_ =	shalt  }
0x59: {  	_ =	shalt  }
0x5a: {  	_ =	shalt  }
0x5b: {  	_ =	shalt  }
0x5c: {  	_ =	shalt  }
0x5d: {  	_ =	shalt  }
0x5e: {  	_ =	shalt  }
0x5f: {  	_ =	shalt  }
0x60: {  	_ =	shalt  }
0x61: {  	_ =	shalt  }
0x62: {  	_ =	shalt  }
0x63: {  	_ =	shalt  }
0x64: {  	_ =	shalt  }
0x65: {  	_ =	shalt  }
0x66: {  	_ =	shalt  }
0x67: {  	_ =	shalt  }
0x68: {  	_ =	shalt  }
0x69: {  	_ =	shalt  }
0x6a: {  	_ =	shalt  }
0x6b: {  	_ =	shalt  }
0x6c: {  	_ =	shalt  }
0x6d: {  	_ =	shalt  }
0x6e: {  	_ =	shalt  }
0x6f: {  	_ =	shalt  }
0x70: {  	_ =	shalt  }
0x71: {  	_ =	shalt  }
0x72: {  	_ =	shalt  }
0x73: {  	_ =	shalt  }
0x74: {  	_ =	shalt  }
0x75: {  	_ =	shalt  }
0x76: {  	_ =	shalt  }
0x77: {  	_ =	shalt  }
0x78: {  	_ =	shalt  }
0x79: {  	_ =	shalt  }
0x7a: {  	_ =	shalt  }
0x7b: {  	_ =	shalt  }
0x7c: {  	_ =	shalt  }
0x7d: {  	_ =	shalt  }
0x7e: {  	_ =	shalt  }
0x7f: {  	_ =	shalt  }
0x80: {  	_ =	shalt  }
0x81: {  	_ =	shalt  }
0x82: {  	_ =	shalt  }
0x83: {  	_ =	shalt  }
0x84: {  	_ =	shalt  }
0x85: {  	_ =	shalt  }
0x86: {  	_ =	shalt  }
0x87: {  	_ =	shalt  }
.Lfunc_end0:
.L_simem_size_0:
called_computation_lowered:
.L_overlay_start_0:
0x88: {  	s2 =	sld [smem:$0x3FD9]  }
0x89: {  	s3 =	sld [smem:$0x3FFE];
	_ =	sdelay $0x1  }
0x8a: {  	s1 =	srdreg.scid  }
0x8b: {  	s0 =	sand.u32 $0x1, s1  }
0x8c: {  	s17 =	sshll.u32 s0, $0xA;
	s2 =	sadd.s32 s3, s2  }
0x8d: {  	s2 =	sadd.s32 s2, s17  }
0x8e: {  	[smem:$0x3FBF] =	sst s2  }
0x8f: {  	_ = 	snop  }
0x90: {  	s2 =	sld [smem:$0x3FD0];
	(tm) =	ssettm $0x1  }
0x91: {  	s18 =	sld [smem:$0x3FFB];
	_ =	sdelay $0x3  }
0x92: {  	_ =	strace s18  }
0x93: {  	s3 =	sld [smem:$0x3FFC];
	_ =	sdelay $0x3  }
0x94: {  	_ =	strace s3  }
0x95: {  	s3 =	sld [smem:$0x3FFD];
	_ =	sdelay $0x3  }
0x96: {  	_ =	strace s3  }
0x97: {  	_ =	strace $0x8FFFFFFF  }
0x98: {  	s19 =	sld [smem:$0x3FDB];
	_ =	sdelay $0x1  }
0x99: {  	s4 =	simm.s32 $_scs_section_size  }
0x9a: {  	s5 =	simm.s32 $_size__tile_overlayer_lowered;
	s6 =	simm.s32 $_tile_overlayer_lowered  }
0x9b: {  	s22 =	simm.s32 $0x1BFF;
	s21 =	sshll.u32 s6, $0x1;
	s3 =	sadd.s32 s4, s19  }
0x9c: {  	s7 =	simm.s32 $0x0;
	s20 =	sshll.u32 s5, $0x1;
	s5 =	sadd.s32 s21, s3  }
0x9d: {  	[timem:s7], [sflag:s22] =	dma.local [hbm:s5], s20  }
0x9e: {  	_ =	swait.ge [sflag:s22], s20  }
0x9f: {  	s4 =	ssub.s32 $0x0, s20;
	[sflag:s22] =	ssyncset.done $0x0  }
0xa0: {  	[sflag:s22] =	ssyncadd.s32 s4;
	_ =	sdelay $0x1  }
0xa1: {  	s23 =	simm.s32 $0x1B8B  }
0xa2: {  	_ =	swait.ge [sflag:s23], $0x1  }
0xa3: {  	[sflag:s23] =	ssyncset.done $0x0  }
0xa4: {  	s25 =	simm.s32 $0x1B8E;
	s24 =	sld [smem:$0x3FFE];
	[sflag:s23] =	ssyncadd.s32 $0xFFFFFFFF  }
0xa5: {  	s26 =	simm.s32 $execute0_lowered;
	[smem:$0x3FD2] =	sst s25  }
0xa6: {  	s5 =	sshll.u32 s26, $0x1;
	_ =	strace $0x80000046;
	[dreg:$0x1] =	wrdreg $0xFFFFFFFF  }
0xa7: {  	s28 =	simm.s32 $_size_execute0_lowered;
	s3 =	sadd.s32 s3, s5;
	[dreg:$0x0] =	wrdreg $0x0  }
0xa8: {  	s5 =	sshll.u32 s28, $0x1;
	[dreg:$0x2] =	wrdreg s3  }
0xa9: {  	[dreg:$0x3] =	wrdreg s5  }
0xaa: {  	[dreg:$0x4] =	wrdreg $0xC0  }
0xab: {  	_ =	task [dreg:s7], $0x5FFFF  }
0xac: {  	[dreg:$0x1] =	wrdreg $0xFFFFFFFF  }
0xad: {  	[dreg:$0x0] =	wrdreg $0x60  }
0xae: {  	[dreg:$0x2] =	wrdreg s24  }
0xaf: {  	[dreg:$0x3] =	wrdreg s2  }
0xb0: {  	[dreg:$0x4] =	wrdreg $0xDD000  }
0xb1: {  	[dreg:$0x5] =	wrdreg $0x9  }
0xb2: {  	_ =	task.clear_ibuf [dreg:s7], $0x6FFFF;
	_ =	strace $0x90000046  }
0xb3: {  	s29 =	simm.s32 $0x9;
	_ =	strace $0x80000048  }
0xb4: {  	_ =	swait.ge [sflag:s29], $0x1  }
0xb5: {  	[sflag:s29] =	ssyncadd.s32 $0xFFFFFFFF  }
0xb6: {  	_ =	strace $0x90000048  }
0xb7: {  	_ =	sfence  }
0xb8: {  	s30 =	sld [smem:$0x0];
	_ =	sdelay $0x2  }
0xb9: {  	s31 =	sshll.u32 s1, $0xD;
	s1 =	sshrl.u32 s1, $0x2  }
0xba: {  	s3 =	sand.u32 $0x4000, s31;
	s1 =	sadd.s32 s1, s30  }
0xbb: {  	s0 =	sor.u32 s3, s0;
	s1 =	sshll.u32 s1, $0x11  }
0xbc: {  	s0 =	sor.u32 s1, s0  }
0xbd: {  	s0 =	sadd.s32 $0x8F2B, s0  }
0xbe: {  	[sflag:s0] =	ssyncadd.remote.s32 $0x1  }
0xbf: {  	_ =	sfence.sel $0xFFFF  }
0xc0: {  	[dreg:$0x0] =	wrdreg $0xFFFFFFFF;
	(pc) =	sbr.abs _section_cstart, $3  }
0xc1: {  	[dreg:$0x1] =	wrdreg $0xFFFFFFFF  }
0xc2: {  	_ =	task.clear_ibuf [dreg:s7], $0x2FFFF;
	_ =	strace $0x9FFFFFFF  }
0xc3: {  	(tm) =	ssettm $0x7FFFFFFF  }
tec
execute0_lowered:
.L_overlay_start_1:
0x0: {  	(tag) =	ssettag $0x1  }
0x1: {  	s4 =	rddreg [dreg:$0x0]  }
0x2: {  	s7 =	rddreg [dreg:$0x1]  }
0x3: {  	s1 =	rddreg [dreg:$0x2]  }
0x4: {  	s0 =	rddreg [dreg:$0x3];
	s2 =	simm.s32 $0x0;
	s9 =	stileid.u32  }
0x5: {  	s5 =	srdreg.scid;
	[smem:$0x7FF] =	sst s2  }
0x6: {  	s8 =	smul.u32 $0x520, s9;
	s10 =	sadd.s32 $0x6A00, s4;
	s3 =	sadd.s32 $0x206A00, s4  }
0x7: {  	s5 =	sand.u32 $0x1, s5;
	s12 =	sadd.s32 $0x40BC00, s4;
	s14 =	sadd.s32 $0x410E00, s4  }
0x8: {  	s11 =	sadd.s32 $0x1800, s4;
	s15 =	sadd.s32 $0x416000, s4;
	s17 =	sadd.s32 $0x41B200, s4  }
0x9: {  	_ =	strace $0x80000047;
	s13 =	ssub.s32 $0x2, s5;
	p0 =	seq.s32 s5, $0x0  }
0xa: {  	s6 =	sadd.s32 s8, s4;
	s16 =	sshrl.u32 s13, $0x1;
	s17 =	smov.u32 @p0 s15  }
0xb: {  	s7 =	smov.u32 @p0 s11;
	s14 =	smov.u32 @p0 s12;
	s3 =	smov.u32 @p0 s10  }
0xc: {  	p0 =	sne.s32 s9, $0x0;
	s9 =	simm.s32 $0xCD00;
	s10 =	simm.s32 $0x2  }
0xd: {  	s11 =	simm.s32 $0x2900;
	s12 =	simm.s32 $0x7B00;
	s15 =	simm.s32 $0xA400  }
0xe: {  	s13 =	ssub.s32 s13, s16;
	s4 =	sadd.s32 $0x406A00, s6;
	s6 =	sadd.s32 s17, s8  }
0xf: {  	s7 =	sadd.s32 s7, s8;
	s8 =	sadd.s32 s14, s8;
	s14 =	simm.s32 $0x1  }
0x10: {  	v0 =	vimm.f32 $0.0e+00;
	s16 =	simm.s32 $0x0;
	s5 =	smax.u32 s13, $0x1;
	s13 =	simm.s32 $0x5200  }
.LBB2_1:
.Ltmp0:
0x11: {  	(pc) =	sbr.rel @p0 .LBB2_5-.Ltmp0, $1  }
0x12: {  	_ =	sdelay $0x3  }
0x13: {  	s17 =	simm.s32 $0x40;
	s18 =	simm.s32 $0x0  }
.LBB2_3:
0x14: {  	p1 =	sne.s32 s17, $0x3FC0;
	[tilespmem:s18+$0xCD00] =	vst v0;
	s18 =	smov.u32 s17;
	s17 =	sadd.s32 $0x40, s17  }
.Ltmp1:
0x15: {  	(pc) =	sbr.rel @p1 .LBB2_3-.Ltmp1, $2  }
0x16: {  	_ =	sdelay $0x2  }
0x17: {  	s18 =	sshra.s32 s18, $0x2  }
0x18: {  	[tilespmem:s18+$0xCD00] =	vst v0  }
0x19: {  	[spmem:s1] =	stream.linear.scatter [tilespmem:s9], [sflag:$0x2], $0x1000, $0x38;
	[tilespmem:$0xDE00] =	vst v63  }
0x1a: {  	_ =	swait.ge [sflag:s10], $0x1000  }
0x1b: {  	[sflag:s10] =	ssyncset.done $0x0  }
0x1c: {  	[sflag:s10] =	ssyncadd.s32 $0xFFFFF000  }
.LBB2_5:
0x1d: {  	s17 =	simm.s32 $0x0  }
0x1e: {  	[tilespmem:s17], [sflag:$0x2] =	stream.linear.gather [hbm4b:s4+s17], $0x2900, $0x38;
	[tilespmem:$0xDE00] =	vst v63  }
0x1f: {  	_ =	swait.ge [sflag:s10], $0x2900  }
0x20: {  	[sflag:s10] =	ssyncset.done $0x0  }
0x21: {  	[sflag:s10] =	ssyncadd.s32 $0xFFFFD700  }
0x22: {  	[tilespmem:s12], [sflag:$0x1] =	stream.indirect.gather [hbm4b:s3+s11], $0x1, s17, s11, $0xb8;
	[tilespmem:$0xDE00] =	vst v63  }
0x23: {  	_ = 	snop  }
0x24: {  	[tilespmem:s11], [sflag:$0x2] =	stream.linear.gather [hbm4b:s7+s17], $0x2900, $0x38;
	[tilespmem:$0xDE00] =	vst v63  }
0x25: {  	_ =	swait.ge [sflag:s10], $0x2900  }
0x26: {  	[sflag:s10] =	ssyncset.done $0x0  }
0x27: {  	[sflag:s10] =	ssyncadd.s32 $0xFFFFD700  }
0x28: {  	[tilespmem:s13], [sflag:$0x2] =	stream.linear.gather [hbm4b:s8+s17], $0x2900, $0x38;
	[tilespmem:$0xDE00] =	vst v63  }
0x29: {  	_ =	swait.ge [sflag:s10], $0x2900  }
0x2a: {  	[sflag:s10] =	ssyncset.done $0x0  }
0x2b: {  	[sflag:s10] =	ssyncadd.s32 $0xFFFFD700  }
0x2c: {  	_ =	swait.ge [sflag:s14], $0x2900  }
0x2d: {  	[sflag:s14] =	ssyncset.done $0x0  }
0x2e: {  	s17 =	simm.s32 $0x0;
	[sflag:s14] =	ssyncadd.s32 $0xFFFFD700  }
0x2f: {  	v1 =	vld [tilespmem:s17+$0x7B00]  }
0x30: {  	v2 =	vld [tilespmem:s17+$0x5200]  }
0x31: {  	s18 =	simm.s32 $0x10  }
0x32: {  	v3 =	vld [tilespmem:s18+$0x7B00]  }
0x33: {  	v4 =	vld [tilespmem:s18+$0x5200];
	_ =	sdelay $0x1  }
0x34: {  	v1 =	vsub.f32 v1, v2;
	_ =	sdelay $0x1  }
0x35: {  	v1 =	vmul.f32 $1.442695020e+00, v1  }
0x36: {  	v2 =	vsub.f32 v3, v4  }
0x37: {  	(erf) = vpow2.f32 v1  }
0x38: {  	s19 =	simm.s32 $0x20;
	v3 =	vmul.f32 $1.442695020e+00, v2  }
0x39: {  	v2 =	vld [tilespmem:s19+$0x5200]  }
0x3a: {  	v1 =	vld [tilespmem:s19+$0x7B00];
	(erf) = vpow2.f32 v3;
	_ =	sdelay $0x2  }
0x3b: {  	s20 =	simm.s32 $0xC0  }
.LBB2_6:
0x3c: {  	s21 =	sshra.s32 s20, $0x2;
	p1 =	sne.s32 s20, $0xA3C0  }
.Ltmp2:
0x3d: {  	s20 =	sadd.s32 $0x40, s20;
	v3 =	vsub.f32 v1, v2;
	v1 =	vld [tilespmem:s21+$0x7B00];
	(pc) =	sbr.rel @p1 .LBB2_6-.Ltmp2, $4  }
0x3e: {  	v2 =	vld [tilespmem:s21+$0x5200];
	v4 =	vpop (erf)  }
0x3f: {  	v3 =	vmul.f32 $1.442695020e+00, v3;
	[tilespmem:s17+$0xA400] =	vst v4;
	s17 =	smov.u32 s18;
	s18 =	smov.u32 s19;
	s19 =	smov.u32 s21  }
0x40: {  	_ = 	snop  }
0x41: {  	(erf) = vpow2.f32 v3  }
0x42: {  	_ = 	snop  }
0x43: {  	v1 =	vsub.f32 v1, v2;
	_ =	sdelay $0x1  }
0x44: {  	v1 =	vmul.f32 $1.442695020e+00, v1;
	_ =	sdelay $0x1  }
0x45: {  	(erf) = vpow2.f32 v1;
	_ =	sdelay $0x6  }
0x46: {  	v1 =	vpop (erf)  }
0x47: {  	[tilespmem:s17+$0xA400] =	vst v1;
	v1 =	vpop (erf)  }
0x48: {  	[tilespmem:s18+$0xA400] =	vst v1;
	v1 =	vpop (erf)  }
0x49: {  	[tilespmem:s19+$0xA400] =	vst v1  }
0x4a: {  	[bflag:$0x0] =	sbarrier.arrive $0xFFFF  }
0x4b: {  	[spmem:s1] =	stream.indirect.scatter.add.f32 [tilespmem:s15], [sflag:$0x2], $0x1, s11, s11, $0xb8;
	[tilespmem:$0xDE00] =	vst v63  }
0x4c: {  	_ =	swait.ge [sflag:s10], $0x2900  }
0x4d: {  	[sflag:s10] =	ssyncset.done $0x0  }
0x4e: {  	[sflag:s10] =	ssyncadd.s32 $0xFFFFD700  }
0x4f: {  	[bflag:$0x0] =	sbarrier.arrive $0xFFFF  }
0x50: {  	[tilespmem:s13], [sflag:$0x1] =	stream.indirect.gather [spmem:s1], $0x1, s11, s11, $0xb8;
	[tilespmem:$0xDE00] =	vst v63  }
0x51: {  	_ =	swait.ge [sflag:s14], $0x2900  }
0x52: {  	[sflag:s14] =	ssyncset.done $0x0  }
0x53: {  	s19 =	simm.s32 $0x0;
	[sflag:s14] =	ssyncadd.s32 $0xFFFFD700  }
0x54: {  	v1 =	vld [tilespmem:s19+$0x5200];
	_ =	sdelay $0x4  }
0x55: {  	(erf) = vrcp.f32 v1;
	_ =	sdelay $0x2  }
0x56: {  	s17 =	simm.s32 $0x10  }
0x57: {  	v2 =	vld [tilespmem:s17+$0x5200];
	_ =	sdelay $0x3  }
0x58: {  	v3 =	vld [tilespmem:s19+$0xA400]  }
0x59: {  	s18 =	simm.s32 $0x20;
	v4 =	vpop (erf);
	(erf) = vrcp.f32 v2  }
0x5a: {  	v1 =	vld [tilespmem:s18+$0x5200];
	_ =	sdelay $0x2  }
0x5b: {  	v3 =	vmul.f32 v4, v3  }
0x5c: {  	s20 =	simm.s32 $0xC0;
	v2 =	vld [tilespmem:s17+$0xA400]  }
.LBB2_8:
0x5d: {  	s21 =	sshra.s32 s20, $0x2;
	p1 =	sne.s32 s20, $0xA3C0;
	s20 =	sadd.s32 $0x40, s20;
	(erf) = vrcp.f32 v1;
	[tilespmem:s19+$0x7B00] =	vst v3  }
.Ltmp3:
0x5e: {  	s19 =	smov.u32 s17;
	s17 =	smov.u32 s18;
	v1 =	vld [tilespmem:s21+$0x5200];
	(pc) =	sbr.rel @p1 .LBB2_8-.Ltmp3, $4  }
0x5f: {  	s18 =	smov.u32 s21  }
0x60: {  	v3 =	vpop (erf)  }
0x61: {  	v3 =	vmul.f32 v3, v2  }
0x62: {  	v2 =	vld [tilespmem:s17+$0xA400]  }
0x63: {  	(erf) = vrcp.f32 v1;
	_ =	sdelay $0x3  }
0x64: {  	[tilespmem:s19+$0x7B00] =	vst v3  }
0x65: {  	v1 =	vld [tilespmem:s18+$0xA400];
	_ =	sdelay $0x2  }
0x66: {  	v3 =	vpop (erf)  }
0x67: {  	v2 =	vmul.f32 v3, v2;
	v3 =	vpop (erf)  }
0x68: {  	s16 =	sadd.s32 $0x1, s16;
	v1 =	vmul.f32 v3, v1  }
0x69: {  	p1 =	sne.s32 s16, s5;
	[tilespmem:s17+$0x7B00] =	vst v2  }
.Ltmp4:
0x6a: {  	[tilespmem:s18+$0x7B00] =	vst v1;
	(pc) =	sbr.rel @p1 .LBB2_1-.Ltmp4, $4  }
0x6b: {  	[hbm4b:s6+s2] =	stream.linear.scatter [tilespmem:s12], [sflag:$0x2], $0x2900, $0x38;
	[tilespmem:$0xDE00] =	vst v63  }
0x6c: {  	_ =	swait.ge [sflag:s10], $0x2900  }
0x6d: {  	[sflag:s10] =	ssyncset.done $0x0  }
0x6e: {  	[sflag:s10] =	ssyncadd.s32 $0xFFFFD700  }
0x6f: {  	_ =	sfence.sel $0x180000  }
0x70: {  	[bflag:$0x0] =	sbarrier.arrive $0xFFFF  }
0x71: {  	_ =	strace $0x90000047  }
0x72: {  	s0 =	sadd.s32 @!p0 $0x100000, s0;
	[bflag:$0x2] =	sbarrier.arrive $0xFFFF  }
0x73: {  	[sflag:s0] =	ssyncadd.tile.s32 @!p0 $0x1;
	_ =	shalt  }
.Lfunc_end2:
_tile_overlayer_lowered:
.L_overlay_start_2:
0x74: {  	(tag) =	ssettag $0x2  }
0x75: {  	s0 =	rddreg [dreg:$0x0];
	s2 =	stileid.u32  }
0x76: {  	s1 =	rddreg [dreg:$0x1];
	p0 =	sne.s32 s2, $0x0  }
0x77: {  	s3 =	rddreg [dreg:$0x2];
	[bflag:$0x3] =	sbarrier.arrive $0xFFFF;
	s2 =	simm.s32 @!p0 $0x1C02  }
0x78: {  	[timem:s3], [sflag:s2] =	dma.local @!p0 [hbm:s0], s1  }
0x79: {  	s0 =	simm.s32 @!p0 $0x2  }
0x7a: {  	_ =	swait.ge @!p0 [sflag:s0], s1  }
0x7b: {  	s1 =	ssub.s32 @!p0 $0x0, s1;
	[sflag:s0] =	ssyncset.done @!p0 $0x0  }
0x7c: {  	[sflag:s0] =	ssyncadd.s32 @!p0 s1  }
0x7d: {  	[bflag:$0x3] =	sbarrier.arrive $0xFFFF  }
0x7e: {  	_ =	shalt  }

</sc_bundles>
